<compile_context>
chip_gen: v7x
topology: tpu7x:2x2x1
jax: 0.10.2.dev20260603
libtpu: 0.0.44.dev20260713+nightly
codegen_flags: <defaults>
</compile_context>

<pallas_src>
import functools

import jax
import jax.numpy as jnp
from jax import lax
from jax.experimental import pallas as pl
from jax.experimental.pallas import tpu as pltpu
from jax.experimental.pallas import tpu_sc as plsc

IDXW = 128
K = 5
CH = K * IDXW
NCORES = 2


def _build(N, D, V):
    info = plsc.get_sparse_core_info()
    NC, NS = NCORES, info.num_subcores
    NW = NC * NS
    assert N % (NW * CH) == 0
    b_per_w = N // NW
    n_ch = b_per_w // CH
    assert n_ch % 2 == 0 and n_ch >= 4

    mesh = plsc.VectorSubcoreMesh(
        core_axis_name="c", subcore_axis_name="s", num_cores=NC
    )

    @functools.partial(
        pl.kernel,
        mesh=mesh,
        compiler_params=pltpu.CompilerParams(use_tc_tiling_on_sc=False),
        out_type=jax.ShapeDtypeStruct((N, 128), jnp.float32),
        scratch_types=[
            pltpu.VMEM((2, K, IDXW), jnp.int32),
            pltpu.VMEM((2, CH, D), jnp.float32),
            pltpu.SemaphoreType.DMA,
            pltpu.SemaphoreType.DMA,
        ],
    )
    def emb_kernel(idx_hbm, tbl_hbm, out_hbm, idx_v, rows_v, sg0, sg1):
        wid = lax.axis_index("s") * NC + lax.axis_index("c")
        row0 = wid * (b_per_w // IDXW)
        base = wid * b_per_w
        sg = (sg0, sg1)

        def load_idx(b, c):
            pltpu.sync_copy(idx_hbm.at[pl.ds(row0 + c * K, K)], idx_v.at[b])

        def gathers(b):
            return [
                pltpu.make_async_copy(
                    tbl_hbm.at[idx_v.at[b].at[j]],
                    rows_v.at[b].at[pl.ds(j * IDXW, IDXW)],
                    sg[b],
                )
                for j in range(K)
            ]

        def fire_gathers(b):
            for cp in gathers(b):
                cp.start()

        def wait_gathers(b):
            for cp in gathers(b):
                cp.wait()

        def write_out(b, c):
            pltpu.sync_copy(
                rows_v.at[b],
                out_hbm.at[pl.ds(base + c * CH, CH), pl.ds(0, D)],
            )

        for b in (0, 1):
            load_idx(b, b)
            fire_gathers(b)

        @pl.loop(0, n_ch - 2, step=2)
        def _steady(g):
            for b in (0, 1):
                c = g + b
                wait_gathers(b)
                write_out(b, c)
                load_idx(b, c + 2)
                fire_gathers(b)

        for b in (0, 1):
            wait_gathers(b)
            write_out(b, n_ch - 2 + b)

    return emb_kernel


def kernel(x, table):
    B, S = x.shape
    V, D = table.shape
    N = B * S
    idx2d = x.reshape(N // IDXW, IDXW).astype(jnp.int32)
    out = _build(N, D, V)(idx2d, table)
    return out[:, :D].reshape(B, S, D)

# --- scband reference (transcript-rebuilt; emitter-appended) ---
"""Pipeline reference for scband-token-embeddings-10204842295834 (READ-ONLY COPY).

The authoritative reference and input builder live on the scoring server;
editing this copy changes nothing except your own understanding.
"""

import jax, jax.numpy as jnp
import numpy as np

VOCAB = 1000000
EMB = 64
BATCH = 4096
SEQ = 200

def setup_inputs(seed: int = 0) -> dict:
    key = jax.random.key(seed)
    k_idx, k_tbl = jax.random.split(key)
    x = jax.random.randint(k_idx, (BATCH, SEQ), 0, VOCAB, dtype=jnp.int64 if jax.config.jax_enable_x64 else jnp.int32)
    table = jax.random.normal(k_tbl, (VOCAB, EMB), dtype=jnp.float32)
    return {"x": x, "table": table}

def reference(x, table):
    # nn.Embedding forward: gather rows of the table by index
    return jnp.take(table, x, axis=0)

if __name__ == "__main__":
    import jax
    _d = setup_inputs()
    print(jax.jit(kernel)(*tuple(_d.values())))

</pallas_src>

<mosaic_0001>
#map = affine_map<(d0, d1) -> (0, 0)>
module attributes {stable_mosaic.version = 14 : i64} {
  func.func @emb_kernel(%arg0: i32, %arg1: i32, %arg2: memref<6400x128xi32, #tpu.memory_space<hbm>>, %arg3: memref<1000000x64xf32, #tpu.memory_space<hbm>>, %arg4: memref<819200x128xf32, #tpu.memory_space<hbm>>, %arg5: memref<2x5x128xi32, #tpu.memory_space<vmem>>, %arg6: memref<2x640x64xf32, #tpu.memory_space<vmem>>, %arg7: memref<!tpu.dma_semaphore, #tpu.memory_space<semaphore_mem>>, %arg8: memref<!tpu.dma_semaphore, #tpu.memory_space<semaphore_mem>>) attributes {dimension_semantics = [#tpu.dimension_semantics<core_parallel>, #tpu.dimension_semantics<subcore_parallel>], iteration_bounds = array<i64: 2, 16>, scalar_prefetch = 0 : i64, scratch_operands = 4 : i64, tpu.core_type = #tpu.core_type<sc_vector_subcore>, window_params = [{transform_indices = #map}, {transform_indices = #map}, {transform_indices = #map}]} {
    %mul3A = arith.constant 2 : i32
    %mul3A_0 = arith.muli %arg1, %mul3A : i32
    %add3A = arith.addi %mul3A_0, %arg0 : i32
    %mul3A_1 = arith.constant 200 : i32
    %mul3A_2 = arith.muli %add3A, %mul3A_1 : i32
    %mul3A_3 = arith.constant 25600 : i32
    %mul3A_4 = arith.muli %add3A, %mul3A_3 : i32
    %add3A_5 = arith.constant 0 : i32
    %add3A_6 = arith.addi %mul3A_2, %add3A_5 : i32
    %run_scoped3A = arith.constant 0 : i32
    "tpu.region"() ({
      %run_scoped3A_418 = tpu.sem_alloc : memref<!tpu.dma_semaphore, #tpu.memory_space<semaphore_mem>>
      %dma_start3A_419 = arith.constant 0 : i32
      %dma_start3A_420 = arith.constant 0 : i32
      %dma_start3A_421 = tpu.memref_slice %arg5[%run_scoped3A, %dma_start3A_419, %dma_start3A_420] : memref<2x5x128xi32, #tpu.memory_space<vmem>> -> memref<1x5x128xi32, #tpu.memory_space<vmem>>
      %dma_start3A_422 = tpu.memref_squeeze %dma_start3A_421 : memref<1x5x128xi32, #tpu.memory_space<vmem>> -> memref<5x128xi32, #tpu.memory_space<vmem>>
      %dma_start3A_423 = arith.constant 0 : i32
      %dma_start3A_424 = tpu.memref_slice %arg2[%add3A_6, %dma_start3A_423] : memref<6400x128xi32, #tpu.memory_space<hbm>> -> memref<5x128xi32, #tpu.memory_space<hbm>>
      %dma_start3A_425 = arith.constant 0 : i32
      %dma_start3A_426 = arith.constant 0 : i32
      %dma_start3A_427 = tpu.memref_slice %arg5[%run_scoped3A, %dma_start3A_425, %dma_start3A_426] : memref<2x5x128xi32, #tpu.memory_space<vmem>> -> memref<1x5x128xi32, #tpu.memory_space<vmem>>
      %dma_start3A_428 = tpu.memref_squeeze %dma_start3A_427 : memref<1x5x128xi32, #tpu.memory_space<vmem>> -> memref<5x128xi32, #tpu.memory_space<vmem>>
      %dma_start3A_429 = arith.constant 0 : i32
      %dma_start3A_430 = tpu.memref_slice %arg2[%add3A_6, %dma_start3A_429] : memref<6400x128xi32, #tpu.memory_space<hbm>> -> memref<5x128xi32, #tpu.memory_space<hbm>>
      tpu.enqueue_dma source(%dma_start3A_430 : memref<5x128xi32, #tpu.memory_space<hbm>>) target(%dma_start3A_428 : memref<5x128xi32, #tpu.memory_space<vmem>>) target_semaphore(%run_scoped3A_418 : memref<!tpu.dma_semaphore, #tpu.memory_space<semaphore_mem>>)
      %dma_wait3A_431 = arith.constant 0 : i32
      %dma_wait3A_432 = arith.constant 0 : i32
      %dma_wait3A_433 = tpu.memref_slice %arg5[%run_scoped3A, %dma_wait3A_431, %dma_wait3A_432] : memref<2x5x128xi32, #tpu.memory_space<vmem>> -> memref<1x5x128xi32, #tpu.memory_space<vmem>>
      %dma_wait3A_434 = tpu.memref_squeeze %dma_wait3A_433 : memref<1x5x128xi32, #tpu.memory_space<vmem>> -> memref<5x128xi32, #tpu.memory_space<vmem>>
      %dma_wait3A_435 = arith.constant 0 : i32
      %dma_wait3A_436 = tpu.memref_slice %arg2[%add3A_6, %dma_wait3A_435] : memref<6400x128xi32, #tpu.memory_space<hbm>> -> memref<5x128xi32, #tpu.memory_space<hbm>>
      %dma_wait3A_437 = arith.constant 0 : i32
      %dma_wait3A_438 = arith.constant 0 : i32
      %dma_wait3A_439 = tpu.memref_slice %arg5[%run_scoped3A, %dma_wait3A_437, %dma_wait3A_438] : memref<2x5x128xi32, #tpu.memory_space<vmem>> -> memref<1x5x128xi32, #tpu.memory_space<vmem>>
      %dma_wait3A_440 = tpu.memref_squeeze %dma_wait3A_439 : memref<1x5x128xi32, #tpu.memory_space<vmem>> -> memref<5x128xi32, #tpu.memory_space<vmem>>
      %dma_wait3A_441 = arith.constant 0 : i32
      %dma_wait3A_442 = tpu.memref_slice %arg2[%add3A_6, %dma_wait3A_441] : memref<6400x128xi32, #tpu.memory_space<hbm>> -> memref<5x128xi32, #tpu.memory_space<hbm>>
      tpu.wait_dma2 semaphore(%run_scoped3A_418 : memref<!tpu.dma_semaphore, #tpu.memory_space<semaphore_mem>>) src(%dma_wait3A_442 : memref<5x128xi32, #tpu.memory_space<hbm>>) dst(%dma_wait3A_440 : memref<5x128xi32, #tpu.memory_space<vmem>>)
      tpu.yield
    }) : () -> ()
    %dma_start3A = arith.constant 0 : i32
    %dma_start3A_7 = arith.constant 0 : i32
    %dma_start3A_8 = arith.constant 0 : i32
    %dma_start3A_9 = arith.constant 0 : i32
    %dma_start3A_10 = arith.constant 0 : i32
    %dma_start3A_11 = tpu.memref_slice %arg6[%dma_start3A_8, %dma_start3A_9, %dma_start3A_10] : memref<2x640x64xf32, #tpu.memory_space<vmem>> -> memref<1x640x64xf32, #tpu.memory_space<vmem>>
    %dma_start3A_12 = tpu.memref_squeeze %dma_start3A_11 : memref<1x640x64xf32, #tpu.memory_space<vmem>> -> memref<640x64xf32, #tpu.memory_space<vmem>>
    %dma_start3A_13 = arith.constant 0 : i32
    %dma_start3A_14 = arith.constant 0 : i32
    %dma_start3A_15 = tpu.memref_slice %dma_start3A_12[%dma_start3A_13, %dma_start3A_14] : memref<640x64xf32, #tpu.memory_space<vmem>> -> memref<128x64xf32, #tpu.memory_space<vmem>>
    %dma_start3A_16 = arith.constant 0 : i32
    %dma_start3A_17 = arith.constant 0 : i32
    %dma_start3A_18 = tpu.memref_slice %arg5[%dma_start3A, %dma_start3A_16, %dma_start3A_17] : memref<2x5x128xi32, #tpu.memory_space<vmem>> -> memref<1x5x128xi32, #tpu.memory_space<vmem>>
    %dma_start3A_19 = tpu.memref_squeeze %dma_start3A_18 : memref<1x5x128xi32, #tpu.memory_space<vmem>> -> memref<5x128xi32, #tpu.memory_space<vmem>>
    %dma_start3A_20 = arith.constant 0 : i32
    %dma_start3A_21 = tpu.memref_slice %dma_start3A_19[%dma_start3A_7, %dma_start3A_20] : memref<5x128xi32, #tpu.memory_space<vmem>> -> memref<1x128xi32, #tpu.memory_space<vmem>>
    %dma_start3A_22 = tpu.memref_squeeze %dma_start3A_21 : memref<1x128xi32, #tpu.memory_space<vmem>> -> memref<128xi32, #tpu.memory_space<vmem>>
    %dma_start3A_23 = arith.constant 0 : i32
    %dma_start3A_24 = arith.constant 0 : i32
    %dma_start3A_25 = tpu.memref_slice %arg3[%dma_start3A_23, %dma_start3A_24] : memref<1000000x64xf32, #tpu.memory_space<hbm>> -> memref<1000000x64xf32, #tpu.memory_space<hbm>>
    tpu.enqueue_indirect_dma source(%dma_start3A_25 : memref<1000000x64xf32, #tpu.memory_space<hbm>>) target(%dma_start3A_15 : memref<128x64xf32, #tpu.memory_space<vmem>>) offsets(%dma_start3A_22 : memref<128xi32, #tpu.memory_space<vmem>>) semaphore(%arg7 : memref<!tpu.dma_semaphore, #tpu.memory_space<semaphore_mem>>)
    %dma_start3A_26 = arith.constant 0 : i32
    %dma_start3A_27 = arith.constant 1 : i32
    %dma_start3A_28 = arith.constant 0 : i32
    %dma_start3A_29 = arith.constant 0 : i32
    %dma_start3A_30 = arith.constant 0 : i32
    %dma_start3A_31 = tpu.memref_slice %arg6[%dma_start3A_28, %dma_start3A_29, %dma_start3A_30] : memref<2x640x64xf32, #tpu.memory_space<vmem>> -> memref<1x640x64xf32, #tpu.memory_space<vmem>>
    %dma_start3A_32 = tpu.memref_squeeze %dma_start3A_31 : memref<1x640x64xf32, #tpu.memory_space<vmem>> -> memref<640x64xf32, #tpu.memory_space<vmem>>
    %dma_start3A_33 = arith.constant 128 : i32
    %dma_start3A_34 = arith.constant 0 : i32
    %dma_start3A_35 = tpu.memref_slice %dma_start3A_32[%dma_start3A_33, %dma_start3A_34] : memref<640x64xf32, #tpu.memory_space<vmem>> -> memref<128x64xf32, #tpu.memory_space<vmem>>
    %dma_start3A_36 = arith.constant 0 : i32
    %dma_start3A_37 = arith.constant 0 : i32
    %dma_start3A_38 = tpu.memref_slice %arg5[%dma_start3A_26, %dma_start3A_36, %dma_start3A_37] : memref<2x5x128xi32, #tpu.memory_space<vmem>> -> memref<1x5x128xi32, #tpu.memory_space<vmem>>
    %dma_start3A_39 = tpu.memref_squeeze %dma_start3A_38 : memref<1x5x128xi32, #tpu.memory_space<vmem>> -> memref<5x128xi32, #tpu.memory_space<vmem>>
    %dma_start3A_40 = arith.constant 0 : i32
    %dma_start3A_41 = tpu.memref_slice %dma_start3A_39[%dma_start3A_27, %dma_start3A_40] : memref<5x128xi32, #tpu.memory_space<vmem>> -> memref<1x128xi32, #tpu.memory_space<vmem>>
    %dma_start3A_42 = tpu.memref_squeeze %dma_start3A_41 : memref<1x128xi32, #tpu.memory_space<vmem>> -> memref<128xi32, #tpu.memory_space<vmem>>
    %dma_start3A_43 = arith.constant 0 : i32
    %dma_start3A_44 = arith.constant 0 : i32
    %dma_start3A_45 = tpu.memref_slice %arg3[%dma_start3A_43, %dma_start3A_44] : memref<1000000x64xf32, #tpu.memory_space<hbm>> -> memref<1000000x64xf32, #tpu.memory_space<hbm>>
    tpu.enqueue_indirect_dma source(%dma_start3A_45 : memref<1000000x64xf32, #tpu.memory_space<hbm>>) target(%dma_start3A_35 : memref<128x64xf32, #tpu.memory_space<vmem>>) offsets(%dma_start3A_42 : memref<128xi32, #tpu.memory_space<vmem>>) semaphore(%arg7 : memref<!tpu.dma_semaphore, #tpu.memory_space<semaphore_mem>>)
    %dma_start3A_46 = arith.constant 0 : i32
    %dma_start3A_47 = arith.constant 2 : i32
    %dma_start3A_48 = arith.constant 0 : i32
    %dma_start3A_49 = arith.constant 0 : i32
    %dma_start3A_50 = arith.constant 0 : i32
    %dma_start3A_51 = tpu.memref_slice %arg6[%dma_start3A_48, %dma_start3A_49, %dma_start3A_50] : memref<2x640x64xf32, #tpu.memory_space<vmem>> -> memref<1x640x64xf32, #tpu.memory_space<vmem>>
    %dma_start3A_52 = tpu.memref_squeeze %dma_start3A_51 : memref<1x640x64xf32, #tpu.memory_space<vmem>> -> memref<640x64xf32, #tpu.memory_space<vmem>>
    %dma_start3A_53 = arith.constant 256 : i32
    %dma_start3A_54 = arith.constant 0 : i32
    %dma_start3A_55 = tpu.memref_slice %dma_start3A_52[%dma_start3A_53, %dma_start3A_54] : memref<640x64xf32, #tpu.memory_space<vmem>> -> memref<128x64xf32, #tpu.memory_space<vmem>>
    %dma_start3A_56 = arith.constant 0 : i32
    %dma_start3A_57 = arith.constant 0 : i32
    %dma_start3A_58 = tpu.memref_slice %arg5[%dma_start3A_46, %dma_start3A_56, %dma_start3A_57] : memref<2x5x128xi32, #tpu.memory_space<vmem>> -> memref<1x5x128xi32, #tpu.memory_space<vmem>>
    %dma_start3A_59 = tpu.memref_squeeze %dma_start3A_58 : memref<1x5x128xi32, #tpu.memory_space<vmem>> -> memref<5x128xi32, #tpu.memory_space<vmem>>
    %dma_start3A_60 = arith.constant 0 : i32
    %dma_start3A_61 = tpu.memref_slice %dma_start3A_59[%dma_start3A_47, %dma_start3A_60] : memref<5x128xi32, #tpu.memory_space<vmem>> -> memref<1x128xi32, #tpu.memory_space<vmem>>
    %dma_start3A_62 = tpu.memref_squeeze %dma_start3A_61 : memref<1x128xi32, #tpu.memory_space<vmem>> -> memref<128xi32, #tpu.memory_space<vmem>>
    %dma_start3A_63 = arith.constant 0 : i32
    %dma_start3A_64 = arith.constant 0 : i32
    %dma_start3A_65 = tpu.memref_slice %arg3[%dma_start3A_63, %dma_start3A_64] : memref<1000000x64xf32, #tpu.memory_space<hbm>> -> memref<1000000x64xf32, #tpu.memory_space<hbm>>
    tpu.enqueue_indirect_dma source(%dma_start3A_65 : memref<1000000x64xf32, #tpu.memory_space<hbm>>) target(%dma_start3A_55 : memref<128x64xf32, #tpu.memory_space<vmem>>) offsets(%dma_start3A_62 : memref<128xi32, #tpu.memory_space<vmem>>) semaphore(%arg7 : memref<!tpu.dma_semaphore, #tpu.memory_space<semaphore_mem>>)
    %dma_start3A_66 = arith.constant 0 : i32
    %dma_start3A_67 = arith.constant 3 : i32
    %dma_start3A_68 = arith.constant 0 : i32
    %dma_start3A_69 = arith.constant 0 : i32
    %dma_start3A_70 = arith.constant 0 : i32
    %dma_start3A_71 = tpu.memref_slice %arg6[%dma_start3A_68, %dma_start3A_69, %dma_start3A_70] : memref<2x640x64xf32, #tpu.memory_space<vmem>> -> memref<1x640x64xf32, #tpu.memory_space<vmem>>
    %dma_start3A_72 = tpu.memref_squeeze %dma_start3A_71 : memref<1x640x64xf32, #tpu.memory_space<vmem>> -> memref<640x64xf32, #tpu.memory_space<vmem>>
    %dma_start3A_73 = arith.constant 384 : i32
    %dma_start3A_74 = arith.constant 0 : i32
    %dma_start3A_75 = tpu.memref_slice %dma_start3A_72[%dma_start3A_73, %dma_start3A_74] : memref<640x64xf32, #tpu.memory_space<vmem>> -> memref<128x64xf32, #tpu.memory_space<vmem>>
    %dma_start3A_76 = arith.constant 0 : i32
    %dma_start3A_77 = arith.constant 0 : i32
    %dma_start3A_78 = tpu.memref_slice %arg5[%dma_start3A_66, %dma_start3A_76, %dma_start3A_77] : memref<2x5x128xi32, #tpu.memory_space<vmem>> -> memref<1x5x128xi32, #tpu.memory_space<vmem>>
    %dma_start3A_79 = tpu.memref_squeeze %dma_start3A_78 : memref<1x5x128xi32, #tpu.memory_space<vmem>> -> memref<5x128xi32, #tpu.memory_space<vmem>>
    %dma_start3A_80 = arith.constant 0 : i32
    %dma_start3A_81 = tpu.memref_slice %dma_start3A_79[%dma_start3A_67, %dma_start3A_80] : memref<5x128xi32, #tpu.memory_space<vmem>> -> memref<1x128xi32, #tpu.memory_space<vmem>>
    %dma_start3A_82 = tpu.memref_squeeze %dma_start3A_81 : memref<1x128xi32, #tpu.memory_space<vmem>> -> memref<128xi32, #tpu.memory_space<vmem>>
    %dma_start3A_83 = arith.constant 0 : i32
    %dma_start3A_84 = arith.constant 0 : i32
    %dma_start3A_85 = tpu.memref_slice %arg3[%dma_start3A_83, %dma_start3A_84] : memref<1000000x64xf32, #tpu.memory_space<hbm>> -> memref<1000000x64xf32, #tpu.memory_space<hbm>>
    tpu.enqueue_indirect_dma source(%dma_start3A_85 : memref<1000000x64xf32, #tpu.memory_space<hbm>>) target(%dma_start3A_75 : memref<128x64xf32, #tpu.memory_space<vmem>>) offsets(%dma_start3A_82 : memref<128xi32, #tpu.memory_space<vmem>>) semaphore(%arg7 : memref<!tpu.dma_semaphore, #tpu.memory_space<semaphore_mem>>)
    %dma_start3A_86 = arith.constant 0 : i32
    %dma_start3A_87 = arith.constant 4 : i32
    %dma_start3A_88 = arith.constant 0 : i32
    %dma_start3A_89 = arith.constant 0 : i32
    %dma_start3A_90 = arith.constant 0 : i32
    %dma_start3A_91 = tpu.memref_slice %arg6[%dma_start3A_88, %dma_start3A_89, %dma_start3A_90] : memref<2x640x64xf32, #tpu.memory_space<vmem>> -> memref<1x640x64xf32, #tpu.memory_space<vmem>>
    %dma_start3A_92 = tpu.memref_squeeze %dma_start3A_91 : memref<1x640x64xf32, #tpu.memory_space<vmem>> -> memref<640x64xf32, #tpu.memory_space<vmem>>
    %dma_start3A_93 = arith.constant 512 : i32
    %dma_start3A_94 = arith.constant 0 : i32
    %dma_start3A_95 = tpu.memref_slice %dma_start3A_92[%dma_start3A_93, %dma_start3A_94] : memref<640x64xf32, #tpu.memory_space<vmem>> -> memref<128x64xf32, #tpu.memory_space<vmem>>
    %dma_start3A_96 = arith.constant 0 : i32
    %dma_start3A_97 = arith.constant 0 : i32
    %dma_start3A_98 = tpu.memref_slice %arg5[%dma_start3A_86, %dma_start3A_96, %dma_start3A_97] : memref<2x5x128xi32, #tpu.memory_space<vmem>> -> memref<1x5x128xi32, #tpu.memory_space<vmem>>
    %dma_start3A_99 = tpu.memref_squeeze %dma_start3A_98 : memref<1x5x128xi32, #tpu.memory_space<vmem>> -> memref<5x128xi32, #tpu.memory_space<vmem>>
    %dma_start3A_100 = arith.constant 0 : i32
    %dma_start3A_101 = tpu.memref_slice %dma_start3A_99[%dma_start3A_87, %dma_start3A_100] : memref<5x128xi32, #tpu.memory_space<vmem>> -> memref<1x128xi32, #tpu.memory_space<vmem>>
    %dma_start3A_102 = tpu.memref_squeeze %dma_start3A_101 : memref<1x128xi32, #tpu.memory_space<vmem>> -> memref<128xi32, #tpu.memory_space<vmem>>
    %dma_start3A_103 = arith.constant 0 : i32
    %dma_start3A_104 = arith.constant 0 : i32
    %dma_start3A_105 = tpu.memref_slice %arg3[%dma_start3A_103, %dma_start3A_104] : memref<1000000x64xf32, #tpu.memory_space<hbm>> -> memref<1000000x64xf32, #tpu.memory_space<hbm>>
    tpu.enqueue_indirect_dma source(%dma_start3A_105 : memref<1000000x64xf32, #tpu.memory_space<hbm>>) target(%dma_start3A_95 : memref<128x64xf32, #tpu.memory_space<vmem>>) offsets(%dma_start3A_102 : memref<128xi32, #tpu.memory_space<vmem>>) semaphore(%arg7 : memref<!tpu.dma_semaphore, #tpu.memory_space<semaphore_mem>>)
    %add3A_106 = arith.constant 5 : i32
    %add3A_107 = arith.addi %mul3A_2, %add3A_106 : i32
    %run_scoped3A_108 = arith.constant 1 : i32
    "tpu.region"() ({
      %run_scoped3A_418 = tpu.sem_alloc : memref<!tpu.dma_semaphore, #tpu.memory_space<semaphore_mem>>
      %dma_start3A_419 = arith.constant 0 : i32
      %dma_start3A_420 = arith.constant 0 : i32
      %dma_start3A_421 = tpu.memref_slice %arg5[%run_scoped3A_108, %dma_start3A_419, %dma_start3A_420] : memref<2x5x128xi32, #tpu.memory_space<vmem>> -> memref<1x5x128xi32, #tpu.memory_space<vmem>>
      %dma_start3A_422 = tpu.memref_squeeze %dma_start3A_421 : memref<1x5x128xi32, #tpu.memory_space<vmem>> -> memref<5x128xi32, #tpu.memory_space<vmem>>
      %dma_start3A_423 = arith.constant 0 : i32
      %dma_start3A_424 = tpu.memref_slice %arg2[%add3A_107, %dma_start3A_423] : memref<6400x128xi32, #tpu.memory_space<hbm>> -> memref<5x128xi32, #tpu.memory_space<hbm>>
      %dma_start3A_425 = arith.constant 0 : i32
      %dma_start3A_426 = arith.constant 0 : i32
      %dma_start3A_427 = tpu.memref_slice %arg5[%run_scoped3A_108, %dma_start3A_425, %dma_start3A_426] : memref<2x5x128xi32, #tpu.memory_space<vmem>> -> memref<1x5x128xi32, #tpu.memory_space<vmem>>
      %dma_start3A_428 = tpu.memref_squeeze %dma_start3A_427 : memref<1x5x128xi32, #tpu.memory_space<vmem>> -> memref<5x128xi32, #tpu.memory_space<vmem>>
      %dma_start3A_429 = arith.constant 0 : i32
      %dma_start3A_430 = tpu.memref_slice %arg2[%add3A_107, %dma_start3A_429] : memref<6400x128xi32, #tpu.memory_space<hbm>> -> memref<5x128xi32, #tpu.memory_space<hbm>>
      tpu.enqueue_dma source(%dma_start3A_430 : memref<5x128xi32, #tpu.memory_space<hbm>>) target(%dma_start3A_428 : memref<5x128xi32, #tpu.memory_space<vmem>>) target_semaphore(%run_scoped3A_418 : memref<!tpu.dma_semaphore, #tpu.memory_space<semaphore_mem>>)
      %dma_wait3A_431 = arith.constant 0 : i32
      %dma_wait3A_432 = arith.constant 0 : i32
      %dma_wait3A_433 = tpu.memref_slice %arg5[%run_scoped3A_108, %dma_wait3A_431, %dma_wait3A_432] : memref<2x5x128xi32, #tpu.memory_space<vmem>> -> memref<1x5x128xi32, #tpu.memory_space<vmem>>
      %dma_wait3A_434 = tpu.memref_squeeze %dma_wait3A_433 : memref<1x5x128xi32, #tpu.memory_space<vmem>> -> memref<5x128xi32, #tpu.memory_space<vmem>>
      %dma_wait3A_435 = arith.constant 0 : i32
      %dma_wait3A_436 = tpu.memref_slice %arg2[%add3A_107, %dma_wait3A_435] : memref<6400x128xi32, #tpu.memory_space<hbm>> -> memref<5x128xi32, #tpu.memory_space<hbm>>
      %dma_wait3A_437 = arith.constant 0 : i32
      %dma_wait3A_438 = arith.constant 0 : i32
      %dma_wait3A_439 = tpu.memref_slice %arg5[%run_scoped3A_108, %dma_wait3A_437, %dma_wait3A_438] : memref<2x5x128xi32, #tpu.memory_space<vmem>> -> memref<1x5x128xi32, #tpu.memory_space<vmem>>
      %dma_wait3A_440 = tpu.memref_squeeze %dma_wait3A_439 : memref<1x5x128xi32, #tpu.memory_space<vmem>> -> memref<5x128xi32, #tpu.memory_space<vmem>>
      %dma_wait3A_441 = arith.constant 0 : i32
      %dma_wait3A_442 = tpu.memref_slice %arg2[%add3A_107, %dma_wait3A_441] : memref<6400x128xi32, #tpu.memory_space<hbm>> -> memref<5x128xi32, #tpu.memory_space<hbm>>
      tpu.wait_dma2 semaphore(%run_scoped3A_418 : memref<!tpu.dma_semaphore, #tpu.memory_space<semaphore_mem>>) src(%dma_wait3A_442 : memref<5x128xi32, #tpu.memory_space<hbm>>) dst(%dma_wait3A_440 : memref<5x128xi32, #tpu.memory_space<vmem>>)
      tpu.yield
    }) : () -> ()
    %dma_start3A_109 = arith.constant 1 : i32
    %dma_start3A_110 = arith.constant 0 : i32
    %dma_start3A_111 = arith.constant 1 : i32
    %dma_start3A_112 = arith.constant 0 : i32
    %dma_start3A_113 = arith.constant 0 : i32
    %dma_start3A_114 = tpu.memref_slice %arg6[%dma_start3A_111, %dma_start3A_112, %dma_start3A_113] : memref<2x640x64xf32, #tpu.memory_space<vmem>> -> memref<1x640x64xf32, #tpu.memory_space<vmem>>
    %dma_start3A_115 = tpu.memref_squeeze %dma_start3A_114 : memref<1x640x64xf32, #tpu.memory_space<vmem>> -> memref<640x64xf32, #tpu.memory_space<vmem>>
    %dma_start3A_116 = arith.constant 0 : i32
    %dma_start3A_117 = arith.constant 0 : i32
    %dma_start3A_118 = tpu.memref_slice %dma_start3A_115[%dma_start3A_116, %dma_start3A_117] : memref<640x64xf32, #tpu.memory_space<vmem>> -> memref<128x64xf32, #tpu.memory_space<vmem>>
    %dma_start3A_119 = arith.constant 0 : i32
    %dma_start3A_120 = arith.constant 0 : i32
    %dma_start3A_121 = tpu.memref_slice %arg5[%dma_start3A_109, %dma_start3A_119, %dma_start3A_120] : memref<2x5x128xi32, #tpu.memory_space<vmem>> -> memref<1x5x128xi32, #tpu.memory_space<vmem>>
    %dma_start3A_122 = tpu.memref_squeeze %dma_start3A_121 : memref<1x5x128xi32, #tpu.memory_space<vmem>> -> memref<5x128xi32, #tpu.memory_space<vmem>>
    %dma_start3A_123 = arith.constant 0 : i32
    %dma_start3A_124 = tpu.memref_slice %dma_start3A_122[%dma_start3A_110, %dma_start3A_123] : memref<5x128xi32, #tpu.memory_space<vmem>> -> memref<1x128xi32, #tpu.memory_space<vmem>>
    %dma_start3A_125 = tpu.memref_squeeze %dma_start3A_124 : memref<1x128xi32, #tpu.memory_space<vmem>> -> memref<128xi32, #tpu.memory_space<vmem>>
    %dma_start3A_126 = arith.constant 0 : i32
    %dma_start3A_127 = arith.constant 0 : i32
    %dma_start3A_128 = tpu.memref_slice %arg3[%dma_start3A_126, %dma_start3A_127] : memref<1000000x64xf32, #tpu.memory_space<hbm>> -> memref<1000000x64xf32, #tpu.memory_space<hbm>>
    tpu.enqueue_indirect_dma source(%dma_start3A_128 : memref<1000000x64xf32, #tpu.memory_space<hbm>>) target(%dma_start3A_118 : memref<128x64xf32, #tpu.memory_space<vmem>>) offsets(%dma_start3A_125 : memref<128xi32, #tpu.memory_space<vmem>>) semaphore(%arg8 : memref<!tpu.dma_semaphore, #tpu.memory_space<semaphore_mem>>)
    %dma_start3A_129 = arith.constant 1 : i32
    %dma_start3A_130 = arith.constant 1 : i32
    %dma_start3A_131 = arith.constant 1 : i32
    %dma_start3A_132 = arith.constant 0 : i32
    %dma_start3A_133 = arith.constant 0 : i32
    %dma_start3A_134 = tpu.memref_slice %arg6[%dma_start3A_131, %dma_start3A_132, %dma_start3A_133] : memref<2x640x64xf32, #tpu.memory_space<vmem>> -> memref<1x640x64xf32, #tpu.memory_space<vmem>>
    %dma_start3A_135 = tpu.memref_squeeze %dma_start3A_134 : memref<1x640x64xf32, #tpu.memory_space<vmem>> -> memref<640x64xf32, #tpu.memory_space<vmem>>
    %dma_start3A_136 = arith.constant 128 : i32
    %dma_start3A_137 = arith.constant 0 : i32
    %dma_start3A_138 = tpu.memref_slice %dma_start3A_135[%dma_start3A_136, %dma_start3A_137] : memref<640x64xf32, #tpu.memory_space<vmem>> -> memref<128x64xf32, #tpu.memory_space<vmem>>
    %dma_start3A_139 = arith.constant 0 : i32
    %dma_start3A_140 = arith.constant 0 : i32
    %dma_start3A_141 = tpu.memref_slice %arg5[%dma_start3A_129, %dma_start3A_139, %dma_start3A_140] : memref<2x5x128xi32, #tpu.memory_space<vmem>> -> memref<1x5x128xi32, #tpu.memory_space<vmem>>
    %dma_start3A_142 = tpu.memref_squeeze %dma_start3A_141 : memref<1x5x128xi32, #tpu.memory_space<vmem>> -> memref<5x128xi32, #tpu.memory_space<vmem>>
    %dma_start3A_143 = arith.constant 0 : i32
    %dma_start3A_144 = tpu.memref_slice %dma_start3A_142[%dma_start3A_130, %dma_start3A_143] : memref<5x128xi32, #tpu.memory_space<vmem>> -> memref<1x128xi32, #tpu.memory_space<vmem>>
    %dma_start3A_145 = tpu.memref_squeeze %dma_start3A_144 : memref<1x128xi32, #tpu.memory_space<vmem>> -> memref<128xi32, #tpu.memory_space<vmem>>
    %dma_start3A_146 = arith.constant 0 : i32
    %dma_start3A_147 = arith.constant 0 : i32
    %dma_start3A_148 = tpu.memref_slice %arg3[%dma_start3A_146, %dma_start3A_147] : memref<1000000x64xf32, #tpu.memory_space<hbm>> -> memref<1000000x64xf32, #tpu.memory_space<hbm>>
    tpu.enqueue_indirect_dma source(%dma_start3A_148 : memref<1000000x64xf32, #tpu.memory_space<hbm>>) target(%dma_start3A_138 : memref<128x64xf32, #tpu.memory_space<vmem>>) offsets(%dma_start3A_145 : memref<128xi32, #tpu.memory_space<vmem>>) semaphore(%arg8 : memref<!tpu.dma_semaphore, #tpu.memory_space<semaphore_mem>>)
    %dma_start3A_149 = arith.constant 1 : i32
    %dma_start3A_150 = arith.constant 2 : i32
    %dma_start3A_151 = arith.constant 1 : i32
    %dma_start3A_152 = arith.constant 0 : i32
    %dma_start3A_153 = arith.constant 0 : i32
    %dma_start3A_154 = tpu.memref_slice %arg6[%dma_start3A_151, %dma_start3A_152, %dma_start3A_153] : memref<2x640x64xf32, #tpu.memory_space<vmem>> -> memref<1x640x64xf32, #tpu.memory_space<vmem>>
    %dma_start3A_155 = tpu.memref_squeeze %dma_start3A_154 : memref<1x640x64xf32, #tpu.memory_space<vmem>> -> memref<640x64xf32, #tpu.memory_space<vmem>>
    %dma_start3A_156 = arith.constant 256 : i32
    %dma_start3A_157 = arith.constant 0 : i32
    %dma_start3A_158 = tpu.memref_slice %dma_start3A_155[%dma_start3A_156, %dma_start3A_157] : memref<640x64xf32, #tpu.memory_space<vmem>> -> memref<128x64xf32, #tpu.memory_space<vmem>>
    %dma_start3A_159 = arith.constant 0 : i32
    %dma_start3A_160 = arith.constant 0 : i32
    %dma_start3A_161 = tpu.memref_slice %arg5[%dma_start3A_149, %dma_start3A_159, %dma_start3A_160] : memref<2x5x128xi32, #tpu.memory_space<vmem>> -> memref<1x5x128xi32, #tpu.memory_space<vmem>>
    %dma_start3A_162 = tpu.memref_squeeze %dma_start3A_161 : memref<1x5x128xi32, #tpu.memory_space<vmem>> -> memref<5x128xi32, #tpu.memory_space<vmem>>
    %dma_start3A_163 = arith.constant 0 : i32
    %dma_start3A_164 = tpu.memref_slice %dma_start3A_162[%dma_start3A_150, %dma_start3A_163] : memref<5x128xi32, #tpu.memory_space<vmem>> -> memref<1x128xi32, #tpu.memory_space<vmem>>
    %dma_start3A_165 = tpu.memref_squeeze %dma_start3A_164 : memref<1x128xi32, #tpu.memory_space<vmem>> -> memref<128xi32, #tpu.memory_space<vmem>>
    %dma_start3A_166 = arith.constant 0 : i32
    %dma_start3A_167 = arith.constant 0 : i32
    %dma_start3A_168 = tpu.memref_slice %arg3[%dma_start3A_166, %dma_start3A_167] : memref<1000000x64xf32, #tpu.memory_space<hbm>> -> memref<1000000x64xf32, #tpu.memory_space<hbm>>
    tpu.enqueue_indirect_dma source(%dma_start3A_168 : memref<1000000x64xf32, #tpu.memory_space<hbm>>) target(%dma_start3A_158 : memref<128x64xf32, #tpu.memory_space<vmem>>) offsets(%dma_start3A_165 : memref<128xi32, #tpu.memory_space<vmem>>) semaphore(%arg8 : memref<!tpu.dma_semaphore, #tpu.memory_space<semaphore_mem>>)
    %dma_start3A_169 = arith.constant 1 : i32
    %dma_start3A_170 = arith.constant 3 : i32
    %dma_start3A_171 = arith.constant 1 : i32
    %dma_start3A_172 = arith.constant 0 : i32
    %dma_start3A_173 = arith.constant 0 : i32
    %dma_start3A_174 = tpu.memref_slice %arg6[%dma_start3A_171, %dma_start3A_172, %dma_start3A_173] : memref<2x640x64xf32, #tpu.memory_space<vmem>> -> memref<1x640x64xf32, #tpu.memory_space<vmem>>
    %dma_start3A_175 = tpu.memref_squeeze %dma_start3A_174 : memref<1x640x64xf32, #tpu.memory_space<vmem>> -> memref<640x64xf32, #tpu.memory_space<vmem>>
    %dma_start3A_176 = arith.constant 384 : i32
    %dma_start3A_177 = arith.constant 0 : i32
    %dma_start3A_178 = tpu.memref_slice %dma_start3A_175[%dma_start3A_176, %dma_start3A_177] : memref<640x64xf32, #tpu.memory_space<vmem>> -> memref<128x64xf32, #tpu.memory_space<vmem>>
    %dma_start3A_179 = arith.constant 0 : i32
    %dma_start3A_180 = arith.constant 0 : i32
    %dma_start3A_181 = tpu.memref_slice %arg5[%dma_start3A_169, %dma_start3A_179, %dma_start3A_180] : memref<2x5x128xi32, #tpu.memory_space<vmem>> -> memref<1x5x128xi32, #tpu.memory_space<vmem>>
    %dma_start3A_182 = tpu.memref_squeeze %dma_start3A_181 : memref<1x5x128xi32, #tpu.memory_space<vmem>> -> memref<5x128xi32, #tpu.memory_space<vmem>>
    %dma_start3A_183 = arith.constant 0 : i32
    %dma_start3A_184 = tpu.memref_slice %dma_start3A_182[%dma_start3A_170, %dma_start3A_183] : memref<5x128xi32, #tpu.memory_space<vmem>> -> memref<1x128xi32, #tpu.memory_space<vmem>>
    %dma_start3A_185 = tpu.memref_squeeze %dma_start3A_184 : memref<1x128xi32, #tpu.memory_space<vmem>> -> memref<128xi32, #tpu.memory_space<vmem>>
    %dma_start3A_186 = arith.constant 0 : i32
    %dma_start3A_187 = arith.constant 0 : i32
    %dma_start3A_188 = tpu.memref_slice %arg3[%dma_start3A_186, %dma_start3A_187] : memref<1000000x64xf32, #tpu.memory_space<hbm>> -> memref<1000000x64xf32, #tpu.memory_space<hbm>>
    tpu.enqueue_indirect_dma source(%dma_start3A_188 : memref<1000000x64xf32, #tpu.memory_space<hbm>>) target(%dma_start3A_178 : memref<128x64xf32, #tpu.memory_space<vmem>>) offsets(%dma_start3A_185 : memref<128xi32, #tpu.memory_space<vmem>>) semaphore(%arg8 : memref<!tpu.dma_semaphore, #tpu.memory_space<semaphore_mem>>)
    %dma_start3A_189 = arith.constant 1 : i32
    %dma_start3A_190 = arith.constant 4 : i32
    %dma_start3A_191 = arith.constant 1 : i32
    %dma_start3A_192 = arith.constant 0 : i32
    %dma_start3A_193 = arith.constant 0 : i32
    %dma_start3A_194 = tpu.memref_slice %arg6[%dma_start3A_191, %dma_start3A_192, %dma_start3A_193] : memref<2x640x64xf32, #tpu.memory_space<vmem>> -> memref<1x640x64xf32, #tpu.memory_space<vmem>>
    %dma_start3A_195 = tpu.memref_squeeze %dma_start3A_194 : memref<1x640x64xf32, #tpu.memory_space<vmem>> -> memref<640x64xf32, #tpu.memory_space<vmem>>
    %dma_start3A_196 = arith.constant 512 : i32
    %dma_start3A_197 = arith.constant 0 : i32
    %dma_start3A_198 = tpu.memref_slice %dma_start3A_195[%dma_start3A_196, %dma_start3A_197] : memref<640x64xf32, #tpu.memory_space<vmem>> -> memref<128x64xf32, #tpu.memory_space<vmem>>
    %dma_start3A_199 = arith.constant 0 : i32
    %dma_start3A_200 = arith.constant 0 : i32
    %dma_start3A_201 = tpu.memref_slice %arg5[%dma_start3A_189, %dma_start3A_199, %dma_start3A_200] : memref<2x5x128xi32, #tpu.memory_space<vmem>> -> memref<1x5x128xi32, #tpu.memory_space<vmem>>
    %dma_start3A_202 = tpu.memref_squeeze %dma_start3A_201 : memref<1x5x128xi32, #tpu.memory_space<vmem>> -> memref<5x128xi32, #tpu.memory_space<vmem>>
    %dma_start3A_203 = arith.constant 0 : i32
    %dma_start3A_204 = tpu.memref_slice %dma_start3A_202[%dma_start3A_190, %dma_start3A_203] : memref<5x128xi32, #tpu.memory_space<vmem>> -> memref<1x128xi32, #tpu.memory_space<vmem>>
    %dma_start3A_205 = tpu.memref_squeeze %dma_start3A_204 : memref<1x128xi32, #tpu.memory_space<vmem>> -> memref<128xi32, #tpu.memory_space<vmem>>
    %dma_start3A_206 = arith.constant 0 : i32
    %dma_start3A_207 = arith.constant 0 : i32
    %dma_start3A_208 = tpu.memref_slice %arg3[%dma_start3A_206, %dma_start3A_207] : memref<1000000x64xf32, #tpu.memory_space<hbm>> -> memref<1000000x64xf32, #tpu.memory_space<hbm>>
    tpu.enqueue_indirect_dma source(%dma_start3A_208 : memref<1000000x64xf32, #tpu.memory_space<hbm>>) target(%dma_start3A_198 : memref<128x64xf32, #tpu.memory_space<vmem>>) offsets(%dma_start3A_205 : memref<128xi32, #tpu.memory_space<vmem>>) semaphore(%arg8 : memref<!tpu.dma_semaphore, #tpu.memory_space<semaphore_mem>>)
    %scan3A = arith.constant 0 : i32
    %scan3A_209 = arith.constant 19 : i32
    %scan3A_210 = arith.addi %scan3A, %scan3A_209 : i32
    %scan3A_211 = arith.constant 1 : i32
    scf.for %scan3A_418 = %scan3A to %scan3A_210 step %scan3A_211  : i32 {
      %mul3A_419 = arith.constant 2 : i32
      %mul3A_420 = arith.muli %scan3A_418, %mul3A_419 : i32
      %add3A_421 = arith.constant 0 : i32
      %add3A_422 = arith.addi %add3A_421, %mul3A_420 : i32
      %add3A_423 = arith.constant 0 : i32
      %add3A_424 = arith.addi %add3A_422, %add3A_423 : i32
      %dma_wait3A_425 = arith.constant 0 : i32
      %dma_wait3A_426 = arith.constant 0 : i32
      %dma_wait3A_427 = arith.constant 0 : i32
      %dma_wait3A_428 = arith.constant 0 : i32
      %dma_wait3A_429 = arith.constant 0 : i32
      %dma_wait3A_430 = tpu.memref_slice %arg6[%dma_wait3A_427, %dma_wait3A_428, %dma_wait3A_429] : memref<2x640x64xf32, #tpu.memory_space<vmem>> -> memref<1x640x64xf32, #tpu.memory_space<vmem>>
      %dma_wait3A_431 = tpu.memref_squeeze %dma_wait3A_430 : memref<1x640x64xf32, #tpu.memory_space<vmem>> -> memref<640x64xf32, #tpu.memory_space<vmem>>
      %dma_wait3A_432 = arith.constant 0 : i32
      %dma_wait3A_433 = arith.constant 0 : i32
      %dma_wait3A_434 = tpu.memref_slice %dma_wait3A_431[%dma_wait3A_432, %dma_wait3A_433] : memref<640x64xf32, #tpu.memory_space<vmem>> -> memref<128x64xf32, #tpu.memory_space<vmem>>
      %dma_wait3A_435 = arith.constant 0 : i32
      %dma_wait3A_436 = arith.constant 0 : i32
      %dma_wait3A_437 = tpu.memref_slice %arg5[%dma_wait3A_425, %dma_wait3A_435, %dma_wait3A_436] : memref<2x5x128xi32, #tpu.memory_space<vmem>> -> memref<1x5x128xi32, #tpu.memory_space<vmem>>
      %dma_wait3A_438 = tpu.memref_squeeze %dma_wait3A_437 : memref<1x5x128xi32, #tpu.memory_space<vmem>> -> memref<5x128xi32, #tpu.memory_space<vmem>>
      %dma_wait3A_439 = arith.constant 0 : i32
      %dma_wait3A_440 = tpu.memref_slice %dma_wait3A_438[%dma_wait3A_426, %dma_wait3A_439] : memref<5x128xi32, #tpu.memory_space<vmem>> -> memref<1x128xi32, #tpu.memory_space<vmem>>
      %dma_wait3A_441 = tpu.memref_squeeze %dma_wait3A_440 : memref<1x128xi32, #tpu.memory_space<vmem>> -> memref<128xi32, #tpu.memory_space<vmem>>
      %dma_wait3A_442 = arith.constant 0 : i32
      %dma_wait3A_443 = arith.constant 0 : i32
      %dma_wait3A_444 = tpu.memref_slice %arg3[%dma_wait3A_442, %dma_wait3A_443] : memref<1000000x64xf32, #tpu.memory_space<hbm>> -> memref<1000000x64xf32, #tpu.memory_space<hbm>>
      tpu.wait_indirect_dma semaphore(%arg7 : memref<!tpu.dma_semaphore, #tpu.memory_space<semaphore_mem>>) src(%dma_wait3A_444 : memref<1000000x64xf32, #tpu.memory_space<hbm>>) dst(%dma_wait3A_434 : memref<128x64xf32, #tpu.memory_space<vmem>>)
      %dma_wait3A_445 = arith.constant 0 : i32
      %dma_wait3A_446 = arith.constant 1 : i32
      %dma_wait3A_447 = arith.constant 0 : i32
      %dma_wait3A_448 = arith.constant 0 : i32
      %dma_wait3A_449 = arith.constant 0 : i32
      %dma_wait3A_450 = tpu.memref_slice %arg6[%dma_wait3A_447, %dma_wait3A_448, %dma_wait3A_449] : memref<2x640x64xf32, #tpu.memory_space<vmem>> -> memref<1x640x64xf32, #tpu.memory_space<vmem>>
      %dma_wait3A_451 = tpu.memref_squeeze %dma_wait3A_450 : memref<1x640x64xf32, #tpu.memory_space<vmem>> -> memref<640x64xf32, #tpu.memory_space<vmem>>
      %dma_wait3A_452 = arith.constant 128 : i32
      %dma_wait3A_453 = arith.constant 0 : i32
      %dma_wait3A_454 = tpu.memref_slice %dma_wait3A_451[%dma_wait3A_452, %dma_wait3A_453] : memref<640x64xf32, #tpu.memory_space<vmem>> -> memref<128x64xf32, #tpu.memory_space<vmem>>
      %dma_wait3A_455 = arith.constant 0 : i32
      %dma_wait3A_456 = arith.constant 0 : i32
      %dma_wait3A_457 = tpu.memref_slice %arg5[%dma_wait3A_445, %dma_wait3A_455, %dma_wait3A_456] : memref<2x5x128xi32, #tpu.memory_space<vmem>> -> memref<1x5x128xi32, #tpu.memory_space<vmem>>
      %dma_wait3A_458 = tpu.memref_squeeze %dma_wait3A_457 : memref<1x5x128xi32, #tpu.memory_space<vmem>> -> memref<5x128xi32, #tpu.memory_space<vmem>>
      %dma_wait3A_459 = arith.constant 0 : i32
      %dma_wait3A_460 = tpu.memref_slice %dma_wait3A_458[%dma_wait3A_446, %dma_wait3A_459] : memref<5x128xi32, #tpu.memory_space<vmem>> -> memref<1x128xi32, #tpu.memory_space<vmem>>
      %dma_wait3A_461 = tpu.memref_squeeze %dma_wait3A_460 : memref<1x128xi32, #tpu.memory_space<vmem>> -> memref<128xi32, #tpu.memory_space<vmem>>
      %dma_wait3A_462 = arith.constant 0 : i32
      %dma_wait3A_463 = arith.constant 0 : i32
      %dma_wait3A_464 = tpu.memref_slice %arg3[%dma_wait3A_462, %dma_wait3A_463] : memref<1000000x64xf32, #tpu.memory_space<hbm>> -> memref<1000000x64xf32, #tpu.memory_space<hbm>>
      tpu.wait_indirect_dma semaphore(%arg7 : memref<!tpu.dma_semaphore, #tpu.memory_space<semaphore_mem>>) src(%dma_wait3A_464 : memref<1000000x64xf32, #tpu.memory_space<hbm>>) dst(%dma_wait3A_454 : memref<128x64xf32, #tpu.memory_space<vmem>>)
      %dma_wait3A_465 = arith.constant 0 : i32
      %dma_wait3A_466 = arith.constant 2 : i32
      %dma_wait3A_467 = arith.constant 0 : i32
      %dma_wait3A_468 = arith.constant 0 : i32
      %dma_wait3A_469 = arith.constant 0 : i32
      %dma_wait3A_470 = tpu.memref_slice %arg6[%dma_wait3A_467, %dma_wait3A_468, %dma_wait3A_469] : memref<2x640x64xf32, #tpu.memory_space<vmem>> -> memref<1x640x64xf32, #tpu.memory_space<vmem>>
      %dma_wait3A_471 = tpu.memref_squeeze %dma_wait3A_470 : memref<1x640x64xf32, #tpu.memory_space<vmem>> -> memref<640x64xf32, #tpu.memory_space<vmem>>
      %dma_wait3A_472 = arith.constant 256 : i32
      %dma_wait3A_473 = arith.constant 0 : i32
      %dma_wait3A_474 = tpu.memref_slice %dma_wait3A_471[%dma_wait3A_472, %dma_wait3A_473] : memref<640x64xf32, #tpu.memory_space<vmem>> -> memref<128x64xf32, #tpu.memory_space<vmem>>
      %dma_wait3A_475 = arith.constant 0 : i32
      %dma_wait3A_476 = arith.constant 0 : i32
      %dma_wait3A_477 = tpu.memref_slice %arg5[%dma_wait3A_465, %dma_wait3A_475, %dma_wait3A_476] : memref<2x5x128xi32, #tpu.memory_space<vmem>> -> memref<1x5x128xi32, #tpu.memory_space<vmem>>
      %dma_wait3A_478 = tpu.memref_squeeze %dma_wait3A_477 : memref<1x5x128xi32, #tpu.memory_space<vmem>> -> memref<5x128xi32, #tpu.memory_space<vmem>>
      %dma_wait3A_479 = arith.constant 0 : i32
      %dma_wait3A_480 = tpu.memref_slice %dma_wait3A_478[%dma_wait3A_466, %dma_wait3A_479] : memref<5x128xi32, #tpu.memory_space<vmem>> -> memref<1x128xi32, #tpu.memory_space<vmem>>
      %dma_wait3A_481 = tpu.memref_squeeze %dma_wait3A_480 : memref<1x128xi32, #tpu.memory_space<vmem>> -> memref<128xi32, #tpu.memory_space<vmem>>
      %dma_wait3A_482 = arith.constant 0 : i32
      %dma_wait3A_483 = arith.constant 0 : i32
      %dma_wait3A_484 = tpu.memref_slice %arg3[%dma_wait3A_482, %dma_wait3A_483] : memref<1000000x64xf32, #tpu.memory_space<hbm>> -> memref<1000000x64xf32, #tpu.memory_space<hbm>>
      tpu.wait_indirect_dma semaphore(%arg7 : memref<!tpu.dma_semaphore, #tpu.memory_space<semaphore_mem>>) src(%dma_wait3A_484 : memref<1000000x64xf32, #tpu.memory_space<hbm>>) dst(%dma_wait3A_474 : memref<128x64xf32, #tpu.memory_space<vmem>>)
      %dma_wait3A_485 = arith.constant 0 : i32
      %dma_wait3A_486 = arith.constant 3 : i32
      %dma_wait3A_487 = arith.constant 0 : i32
      %dma_wait3A_488 = arith.constant 0 : i32
      %dma_wait3A_489 = arith.constant 0 : i32
      %dma_wait3A_490 = tpu.memref_slice %arg6[%dma_wait3A_487, %dma_wait3A_488, %dma_wait3A_489] : memref<2x640x64xf32, #tpu.memory_space<vmem>> -> memref<1x640x64xf32, #tpu.memory_space<vmem>>
      %dma_wait3A_491 = tpu.memref_squeeze %dma_wait3A_490 : memref<1x640x64xf32, #tpu.memory_space<vmem>> -> memref<640x64xf32, #tpu.memory_space<vmem>>
      %dma_wait3A_492 = arith.constant 384 : i32
      %dma_wait3A_493 = arith.constant 0 : i32
      %dma_wait3A_494 = tpu.memref_slice %dma_wait3A_491[%dma_wait3A_492, %dma_wait3A_493] : memref<640x64xf32, #tpu.memory_space<vmem>> -> memref<128x64xf32, #tpu.memory_space<vmem>>
      %dma_wait3A_495 = arith.constant 0 : i32
      %dma_wait3A_496 = arith.constant 0 : i32
      %dma_wait3A_497 = tpu.memref_slice %arg5[%dma_wait3A_485, %dma_wait3A_495, %dma_wait3A_496] : memref<2x5x128xi32, #tpu.memory_space<vmem>> -> memref<1x5x128xi32, #tpu.memory_space<vmem>>
      %dma_wait3A_498 = tpu.memref_squeeze %dma_wait3A_497 : memref<1x5x128xi32, #tpu.memory_space<vmem>> -> memref<5x128xi32, #tpu.memory_space<vmem>>
      %dma_wait3A_499 = arith.constant 0 : i32
      %dma_wait3A_500 = tpu.memref_slice %dma_wait3A_498[%dma_wait3A_486, %dma_wait3A_499] : memref<5x128xi32, #tpu.memory_space<vmem>> -> memref<1x128xi32, #tpu.memory_space<vmem>>
      %dma_wait3A_501 = tpu.memref_squeeze %dma_wait3A_500 : memref<1x128xi32, #tpu.memory_space<vmem>> -> memref<128xi32, #tpu.memory_space<vmem>>
      %dma_wait3A_502 = arith.constant 0 : i32
      %dma_wait3A_503 = arith.constant 0 : i32
      %dma_wait3A_504 = tpu.memref_slice %arg3[%dma_wait3A_502, %dma_wait3A_503] : memref<1000000x64xf32, #tpu.memory_space<hbm>> -> memref<1000000x64xf32, #tpu.memory_space<hbm>>
      tpu.wait_indirect_dma semaphore(%arg7 : memref<!tpu.dma_semaphore, #tpu.memory_space<semaphore_mem>>) src(%dma_wait3A_504 : memref<1000000x64xf32, #tpu.memory_space<hbm>>) dst(%dma_wait3A_494 : memref<128x64xf32, #tpu.memory_space<vmem>>)
      %dma_wait3A_505 = arith.constant 0 : i32
      %dma_wait3A_506 = arith.constant 4 : i32
      %dma_wait3A_507 = arith.constant 0 : i32
      %dma_wait3A_508 = arith.constant 0 : i32
      %dma_wait3A_509 = arith.constant 0 : i32
      %dma_wait3A_510 = tpu.memref_slice %arg6[%dma_wait3A_507, %dma_wait3A_508, %dma_wait3A_509] : memref<2x640x64xf32, #tpu.memory_space<vmem>> -> memref<1x640x64xf32, #tpu.memory_space<vmem>>
      %dma_wait3A_511 = tpu.memref_squeeze %dma_wait3A_510 : memref<1x640x64xf32, #tpu.memory_space<vmem>> -> memref<640x64xf32, #tpu.memory_space<vmem>>
      %dma_wait3A_512 = arith.constant 512 : i32
      %dma_wait3A_513 = arith.constant 0 : i32
      %dma_wait3A_514 = tpu.memref_slice %dma_wait3A_511[%dma_wait3A_512, %dma_wait3A_513] : memref<640x64xf32, #tpu.memory_space<vmem>> -> memref<128x64xf32, #tpu.memory_space<vmem>>
      %dma_wait3A_515 = arith.constant 0 : i32
      %dma_wait3A_516 = arith.constant 0 : i32
      %dma_wait3A_517 = tpu.memref_slice %arg5[%dma_wait3A_505, %dma_wait3A_515, %dma_wait3A_516] : memref<2x5x128xi32, #tpu.memory_space<vmem>> -> memref<1x5x128xi32, #tpu.memory_space<vmem>>
      %dma_wait3A_518 = tpu.memref_squeeze %dma_wait3A_517 : memref<1x5x128xi32, #tpu.memory_space<vmem>> -> memref<5x128xi32, #tpu.memory_space<vmem>>
      %dma_wait3A_519 = arith.constant 0 : i32
      %dma_wait3A_520 = tpu.memref_slice %dma_wait3A_518[%dma_wait3A_506, %dma_wait3A_519] : memref<5x128xi32, #tpu.memory_space<vmem>> -> memref<1x128xi32, #tpu.memory_space<vmem>>
      %dma_wait3A_521 = tpu.memref_squeeze %dma_wait3A_520 : memref<1x128xi32, #tpu.memory_space<vmem>> -> memref<128xi32, #tpu.memory_space<vmem>>
      %dma_wait3A_522 = arith.constant 0 : i32
      %dma_wait3A_523 = arith.constant 0 : i32
      %dma_wait3A_524 = tpu.memref_slice %arg3[%dma_wait3A_522, %dma_wait3A_523] : memref<1000000x64xf32, #tpu.memory_space<hbm>> -> memref<1000000x64xf32, #tpu.memory_space<hbm>>
      tpu.wait_indirect_dma semaphore(%arg7 : memref<!tpu.dma_semaphore, #tpu.memory_space<semaphore_mem>>) src(%dma_wait3A_524 : memref<1000000x64xf32, #tpu.memory_space<hbm>>) dst(%dma_wait3A_514 : memref<128x64xf32, #tpu.memory_space<vmem>>)
      %mul3A_525 = arith.constant 640 : i32
      %mul3A_526 = arith.muli %add3A_424, %mul3A_525 : i32
      %add3A_527 = arith.addi %mul3A_4, %mul3A_526 : i32
      %run_scoped3A_528 = arith.constant 0 : i32
      "tpu.region"() ({
        %run_scoped3A_847 = tpu.sem_alloc : memref<!tpu.dma_semaphore, #tpu.memory_space<semaphore_mem>>
        %dma_start3A_848 = arith.constant 0 : i32
        %dma_start3A_849 = arith.constant 0 : i32
        %dma_start3A_850 = tpu.memref_slice %arg6[%run_scoped3A_528, %dma_start3A_848, %dma_start3A_849] : memref<2x640x64xf32, #tpu.memory_space<vmem>> -> memref<1x640x64xf32, #tpu.memory_space<vmem>>
        %dma_start3A_851 = tpu.memref_squeeze %dma_start3A_850 : memref<1x640x64xf32, #tpu.memory_space<vmem>> -> memref<640x64xf32, #tpu.memory_space<vmem>>
        %dma_start3A_852 = arith.constant 0 : i32
        %dma_start3A_853 = tpu.memref_slice %arg4[%add3A_527, %dma_start3A_852] : memref<819200x128xf32, #tpu.memory_space<hbm>> -> memref<640x64xf32, #tpu.memory_space<hbm>>
        %dma_start3A_854 = arith.constant 0 : i32
        %dma_start3A_855 = tpu.memref_slice %arg4[%add3A_527, %dma_start3A_854] : memref<819200x128xf32, #tpu.memory_space<hbm>> -> memref<640x64xf32, #tpu.memory_space<hbm>>
        %dma_start3A_856 = arith.constant 0 : i32
        %dma_start3A_857 = arith.constant 0 : i32
        %dma_start3A_858 = tpu.memref_slice %arg6[%run_scoped3A_528, %dma_start3A_856, %dma_start3A_857] : memref<2x640x64xf32, #tpu.memory_space<vmem>> -> memref<1x640x64xf32, #tpu.memory_space<vmem>>
        %dma_start3A_859 = tpu.memref_squeeze %dma_start3A_858 : memref<1x640x64xf32, #tpu.memory_space<vmem>> -> memref<640x64xf32, #tpu.memory_space<vmem>>
        tpu.enqueue_dma source(%dma_start3A_859 : memref<640x64xf32, #tpu.memory_space<vmem>>) target(%dma_start3A_855 : memref<640x64xf32, #tpu.memory_space<hbm>>) target_semaphore(%run_scoped3A_847 : memref<!tpu.dma_semaphore, #tpu.memory_space<semaphore_mem>>)
        %dma_wait3A_860 = arith.constant 0 : i32
        %dma_wait3A_861 = arith.constant 0 : i32
        %dma_wait3A_862 = tpu.memref_slice %arg6[%run_scoped3A_528, %dma_wait3A_860, %dma_wait3A_861] : memref<2x640x64xf32, #tpu.memory_space<vmem>> -> memref<1x640x64xf32, #tpu.memory_space<vmem>>
        %dma_wait3A_863 = tpu.memref_squeeze %dma_wait3A_862 : memref<1x640x64xf32, #tpu.memory_space<vmem>> -> memref<640x64xf32, #tpu.memory_space<vmem>>
        %dma_wait3A_864 = arith.constant 0 : i32
        %dma_wait3A_865 = tpu.memref_slice %arg4[%add3A_527, %dma_wait3A_864] : memref<819200x128xf32, #tpu.memory_space<hbm>> -> memref<640x64xf32, #tpu.memory_space<hbm>>
        %dma_wait3A_866 = arith.constant 0 : i32
        %dma_wait3A_867 = tpu.memref_slice %arg4[%add3A_527, %dma_wait3A_866] : memref<819200x128xf32, #tpu.memory_space<hbm>> -> memref<640x64xf32, #tpu.memory_space<hbm>>
        %dma_wait3A_868 = arith.constant 0 : i32
        %dma_wait3A_869 = arith.constant 0 : i32
        %dma_wait3A_870 = tpu.memref_slice %arg6[%run_scoped3A_528, %dma_wait3A_868, %dma_wait3A_869] : memref<2x640x64xf32, #tpu.memory_space<vmem>> -> memref<1x640x64xf32, #tpu.memory_space<vmem>>
        %dma_wait3A_871 = tpu.memref_squeeze %dma_wait3A_870 : memref<1x640x64xf32, #tpu.memory_space<vmem>> -> memref<640x64xf32, #tpu.memory_space<vmem>>
        tpu.wait_dma2 semaphore(%run_scoped3A_847 : memref<!tpu.dma_semaphore, #tpu.memory_space<semaphore_mem>>) src(%dma_wait3A_871 : memref<640x64xf32, #tpu.memory_space<vmem>>) dst(%dma_wait3A_867 : memref<640x64xf32, #tpu.memory_space<hbm>>)
        tpu.yield
      }) : () -> ()
      %add3A_529 = arith.constant 2 : i32
      %add3A_530 = arith.addi %add3A_424, %add3A_529 : i32
      %mul3A_531 = arith.constant 5 : i32
      %mul3A_532 = arith.muli %add3A_530, %mul3A_531 : i32
      %add3A_533 = arith.addi %mul3A_2, %mul3A_532 : i32
      %run_scoped3A_534 = arith.constant 0 : i32
      "tpu.region"() ({
        %run_scoped3A_847 = tpu.sem_alloc : memref<!tpu.dma_semaphore, #tpu.memory_space<semaphore_mem>>
        %dma_start3A_848 = arith.constant 0 : i32
        %dma_start3A_849 = arith.constant 0 : i32
        %dma_start3A_850 = tpu.memref_slice %arg5[%run_scoped3A_534, %dma_start3A_848, %dma_start3A_849] : memref<2x5x128xi32, #tpu.memory_space<vmem>> -> memref<1x5x128xi32, #tpu.memory_space<vmem>>
        %dma_start3A_851 = tpu.memref_squeeze %dma_start3A_850 : memref<1x5x128xi32, #tpu.memory_space<vmem>> -> memref<5x128xi32, #tpu.memory_space<vmem>>
        %dma_start3A_852 = arith.constant 0 : i32
        %dma_start3A_853 = tpu.memref_slice %arg2[%add3A_533, %dma_start3A_852] : memref<6400x128xi32, #tpu.memory_space<hbm>> -> memref<5x128xi32, #tpu.memory_space<hbm>>
        %dma_start3A_854 = arith.constant 0 : i32
        %dma_start3A_855 = arith.constant 0 : i32
        %dma_start3A_856 = tpu.memref_slice %arg5[%run_scoped3A_534, %dma_start3A_854, %dma_start3A_855] : memref<2x5x128xi32, #tpu.memory_space<vmem>> -> memref<1x5x128xi32, #tpu.memory_space<vmem>>
        %dma_start3A_857 = tpu.memref_squeeze %dma_start3A_856 : memref<1x5x128xi32, #tpu.memory_space<vmem>> -> memref<5x128xi32, #tpu.memory_space<vmem>>
        %dma_start3A_858 = arith.constant 0 : i32
        %dma_start3A_859 = tpu.memref_slice %arg2[%add3A_533, %dma_start3A_858] : memref<6400x128xi32, #tpu.memory_space<hbm>> -> memref<5x128xi32, #tpu.memory_space<hbm>>
        tpu.enqueue_dma source(%dma_start3A_859 : memref<5x128xi32, #tpu.memory_space<hbm>>) target(%dma_start3A_857 : memref<5x128xi32, #tpu.memory_space<vmem>>) target_semaphore(%run_scoped3A_847 : memref<!tpu.dma_semaphore, #tpu.memory_space<semaphore_mem>>)
        %dma_wait3A_860 = arith.constant 0 : i32
        %dma_wait3A_861 = arith.constant 0 : i32
        %dma_wait3A_862 = tpu.memref_slice %arg5[%run_scoped3A_534, %dma_wait3A_860, %dma_wait3A_861] : memref<2x5x128xi32, #tpu.memory_space<vmem>> -> memref<1x5x128xi32, #tpu.memory_space<vmem>>
        %dma_wait3A_863 = tpu.memref_squeeze %dma_wait3A_862 : memref<1x5x128xi32, #tpu.memory_space<vmem>> -> memref<5x128xi32, #tpu.memory_space<vmem>>
        %dma_wait3A_864 = arith.constant 0 : i32
        %dma_wait3A_865 = tpu.memref_slice %arg2[%add3A_533, %dma_wait3A_864] : memref<6400x128xi32, #tpu.memory_space<hbm>> -> memref<5x128xi32, #tpu.memory_space<hbm>>
        %dma_wait3A_866 = arith.constant 0 : i32
        %dma_wait3A_867 = arith.constant 0 : i32
        %dma_wait3A_868 = tpu.memref_slice %arg5[%run_scoped3A_534, %dma_wait3A_866, %dma_wait3A_867] : memref<2x5x128xi32, #tpu.memory_space<vmem>> -> memref<1x5x128xi32, #tpu.memory_space<vmem>>
        %dma_wait3A_869 = tpu.memref_squeeze %dma_wait3A_868 : memref<1x5x128xi32, #tpu.memory_space<vmem>> -> memref<5x128xi32, #tpu.memory_space<vmem>>
        %dma_wait3A_870 = arith.constant 0 : i32
        %dma_wait3A_871 = tpu.memref_slice %arg2[%add3A_533, %dma_wait3A_870] : memref<6400x128xi32, #tpu.memory_space<hbm>> -> memref<5x128xi32, #tpu.memory_space<hbm>>
        tpu.wait_dma2 semaphore(%run_scoped3A_847 : memref<!tpu.dma_semaphore, #tpu.memory_space<semaphore_mem>>) src(%dma_wait3A_871 : memref<5x128xi32, #tpu.memory_space<hbm>>) dst(%dma_wait3A_869 : memref<5x128xi32, #tpu.memory_space<vmem>>)
        tpu.yield
      }) : () -> ()
      %dma_start3A_535 = arith.constant 0 : i32
      %dma_start3A_536 = arith.constant 0 : i32
      %dma_start3A_537 = arith.constant 0 : i32
      %dma_start3A_538 = arith.constant 0 : i32
      %dma_start3A_539 = arith.constant 0 : i32
      %dma_start3A_540 = tpu.memref_slice %arg6[%dma_start3A_537, %dma_start3A_538, %dma_start3A_539] : memref<2x640x64xf32, #tpu.memory_space<vmem>> -> memref<1x640x64xf32, #tpu.memory_space<vmem>>
      %dma_start3A_541 = tpu.memref_squeeze %dma_start3A_540 : memref<1x640x64xf32, #tpu.memory_space<vmem>> -> memref<640x64xf32, #tpu.memory_space<vmem>>
      %dma_start3A_542 = arith.constant 0 : i32
      %dma_start3A_543 = arith.constant 0 : i32
      %dma_start3A_544 = tpu.memref_slice %dma_start3A_541[%dma_start3A_542, %dma_start3A_543] : memref<640x64xf32, #tpu.memory_space<vmem>> -> memref<128x64xf32, #tpu.memory_space<vmem>>
      %dma_start3A_545 = arith.constant 0 : i32
      %dma_start3A_546 = arith.constant 0 : i32
      %dma_start3A_547 = tpu.memref_slice %arg5[%dma_start3A_535, %dma_start3A_545, %dma_start3A_546] : memref<2x5x128xi32, #tpu.memory_space<vmem>> -> memref<1x5x128xi32, #tpu.memory_space<vmem>>
      %dma_start3A_548 = tpu.memref_squeeze %dma_start3A_547 : memref<1x5x128xi32, #tpu.memory_space<vmem>> -> memref<5x128xi32, #tpu.memory_space<vmem>>
      %dma_start3A_549 = arith.constant 0 : i32
      %dma_start3A_550 = tpu.memref_slice %dma_start3A_548[%dma_start3A_536, %dma_start3A_549] : memref<5x128xi32, #tpu.memory_space<vmem>> -> memref<1x128xi32, #tpu.memory_space<vmem>>
      %dma_start3A_551 = tpu.memref_squeeze %dma_start3A_550 : memref<1x128xi32, #tpu.memory_space<vmem>> -> memref<128xi32, #tpu.memory_space<vmem>>
      %dma_start3A_552 = arith.constant 0 : i32
      %dma_start3A_553 = arith.constant 0 : i32
      %dma_start3A_554 = tpu.memref_slice %arg3[%dma_start3A_552, %dma_start3A_553] : memref<1000000x64xf32, #tpu.memory_space<hbm>> -> memref<1000000x64xf32, #tpu.memory_space<hbm>>
      tpu.enqueue_indirect_dma source(%dma_start3A_554 : memref<1000000x64xf32, #tpu.memory_space<hbm>>) target(%dma_start3A_544 : memref<128x64xf32, #tpu.memory_space<vmem>>) offsets(%dma_start3A_551 : memref<128xi32, #tpu.memory_space<vmem>>) semaphore(%arg7 : memref<!tpu.dma_semaphore, #tpu.memory_space<semaphore_mem>>)
      %dma_start3A_555 = arith.constant 0 : i32
      %dma_start3A_556 = arith.constant 1 : i32
      %dma_start3A_557 = arith.constant 0 : i32
      %dma_start3A_558 = arith.constant 0 : i32
      %dma_start3A_559 = arith.constant 0 : i32
      %dma_start3A_560 = tpu.memref_slice %arg6[%dma_start3A_557, %dma_start3A_558, %dma_start3A_559] : memref<2x640x64xf32, #tpu.memory_space<vmem>> -> memref<1x640x64xf32, #tpu.memory_space<vmem>>
      %dma_start3A_561 = tpu.memref_squeeze %dma_start3A_560 : memref<1x640x64xf32, #tpu.memory_space<vmem>> -> memref<640x64xf32, #tpu.memory_space<vmem>>
      %dma_start3A_562 = arith.constant 128 : i32
      %dma_start3A_563 = arith.constant 0 : i32
      %dma_start3A_564 = tpu.memref_slice %dma_start3A_561[%dma_start3A_562, %dma_start3A_563] : memref<640x64xf32, #tpu.memory_space<vmem>> -> memref<128x64xf32, #tpu.memory_space<vmem>>
      %dma_start3A_565 = arith.constant 0 : i32
      %dma_start3A_566 = arith.constant 0 : i32
      %dma_start3A_567 = tpu.memref_slice %arg5[%dma_start3A_555, %dma_start3A_565, %dma_start3A_566] : memref<2x5x128xi32, #tpu.memory_space<vmem>> -> memref<1x5x128xi32, #tpu.memory_space<vmem>>
      %dma_start3A_568 = tpu.memref_squeeze %dma_start3A_567 : memref<1x5x128xi32, #tpu.memory_space<vmem>> -> memref<5x128xi32, #tpu.memory_space<vmem>>
      %dma_start3A_569 = arith.constant 0 : i32
      %dma_start3A_570 = tpu.memref_slice %dma_start3A_568[%dma_start3A_556, %dma_start3A_569] : memref<5x128xi32, #tpu.memory_space<vmem>> -> memref<1x128xi32, #tpu.memory_space<vmem>>
      %dma_start3A_571 = tpu.memref_squeeze %dma_start3A_570 : memref<1x128xi32, #tpu.memory_space<vmem>> -> memref<128xi32, #tpu.memory_space<vmem>>
      %dma_start3A_572 = arith.constant 0 : i32
      %dma_start3A_573 = arith.constant 0 : i32
      %dma_start3A_574 = tpu.memref_slice %arg3[%dma_start3A_572, %dma_start3A_573] : memref<1000000x64xf32, #tpu.memory_space<hbm>> -> memref<1000000x64xf32, #tpu.memory_space<hbm>>
      tpu.enqueue_indirect_dma source(%dma_start3A_574 : memref<1000000x64xf32, #tpu.memory_space<hbm>>) target(%dma_start3A_564 : memref<128x64xf32, #tpu.memory_space<vmem>>) offsets(%dma_start3A_571 : memref<128xi32, #tpu.memory_space<vmem>>) semaphore(%arg7 : memref<!tpu.dma_semaphore, #tpu.memory_space<semaphore_mem>>)
      %dma_start3A_575 = arith.constant 0 : i32
      %dma_start3A_576 = arith.constant 2 : i32
      %dma_start3A_577 = arith.constant 0 : i32
      %dma_start3A_578 = arith.constant 0 : i32
      %dma_start3A_579 = arith.constant 0 : i32
      %dma_start3A_580 = tpu.memref_slice %arg6[%dma_start3A_577, %dma_start3A_578, %dma_start3A_579] : memref<2x640x64xf32, #tpu.memory_space<vmem>> -> memref<1x640x64xf32, #tpu.memory_space<vmem>>
      %dma_start3A_581 = tpu.memref_squeeze %dma_start3A_580 : memref<1x640x64xf32, #tpu.memory_space<vmem>> -> memref<640x64xf32, #tpu.memory_space<vmem>>
      %dma_start3A_582 = arith.constant 256 : i32
      %dma_start3A_583 = arith.constant 0 : i32
      %dma_start3A_584 = tpu.memref_slice %dma_start3A_581[%dma_start3A_582, %dma_start3A_583] : memref<640x64xf32, #tpu.memory_space<vmem>> -> memref<128x64xf32, #tpu.memory_space<vmem>>
      %dma_start3A_585 = arith.constant 0 : i32
      %dma_start3A_586 = arith.constant 0 : i32
      %dma_start3A_587 = tpu.memref_slice %arg5[%dma_start3A_575, %dma_start3A_585, %dma_start3A_586] : memref<2x5x128xi32, #tpu.memory_space<vmem>> -> memref<1x5x128xi32, #tpu.memory_space<vmem>>
      %dma_start3A_588 = tpu.memref_squeeze %dma_start3A_587 : memref<1x5x128xi32, #tpu.memory_space<vmem>> -> memref<5x128xi32, #tpu.memory_space<vmem>>
      %dma_start3A_589 = arith.constant 0 : i32
      %dma_start3A_590 = tpu.memref_slice %dma_start3A_588[%dma_start3A_576, %dma_start3A_589] : memref<5x128xi32, #tpu.memory_space<vmem>> -> memref<1x128xi32, #tpu.memory_space<vmem>>
      %dma_start3A_591 = tpu.memref_squeeze %dma_start3A_590 : memref<1x128xi32, #tpu.memory_space<vmem>> -> memref<128xi32, #tpu.memory_space<vmem>>
      %dma_start3A_592 = arith.constant 0 : i32
      %dma_start3A_593 = arith.constant 0 : i32
      %dma_start3A_594 = tpu.memref_slice %arg3[%dma_start3A_592, %dma_start3A_593] : memref<1000000x64xf32, #tpu.memory_space<hbm>> -> memref<1000000x64xf32, #tpu.memory_space<hbm>>
      tpu.enqueue_indirect_dma source(%dma_start3A_594 : memref<1000000x64xf32, #tpu.memory_space<hbm>>) target(%dma_start3A_584 : memref<128x64xf32, #tpu.memory_space<vmem>>) offsets(%dma_start3A_591 : memref<128xi32, #tpu.memory_space<vmem>>) semaphore(%arg7 : memref<!tpu.dma_semaphore, #tpu.memory_space<semaphore_mem>>)
      %dma_start3A_595 = arith.constant 0 : i32
      %dma_start3A_596 = arith.constant 3 : i32
      %dma_start3A_597 = arith.constant 0 : i32
      %dma_start3A_598 = arith.constant 0 : i32
      %dma_start3A_599 = arith.constant 0 : i32
      %dma_start3A_600 = tpu.memref_slice %arg6[%dma_start3A_597, %dma_start3A_598, %dma_start3A_599] : memref<2x640x64xf32, #tpu.memory_space<vmem>> -> memref<1x640x64xf32, #tpu.memory_space<vmem>>
      %dma_start3A_601 = tpu.memref_squeeze %dma_start3A_600 : memref<1x640x64xf32, #tpu.memory_space<vmem>> -> memref<640x64xf32, #tpu.memory_space<vmem>>
      %dma_start3A_602 = arith.constant 384 : i32
      %dma_start3A_603 = arith.constant 0 : i32
      %dma_start3A_604 = tpu.memref_slice %dma_start3A_601[%dma_start3A_602, %dma_start3A_603] : memref<640x64xf32, #tpu.memory_space<vmem>> -> memref<128x64xf32, #tpu.memory_space<vmem>>
      %dma_start3A_605 = arith.constant 0 : i32
      %dma_start3A_606 = arith.constant 0 : i32
      %dma_start3A_607 = tpu.memref_slice %arg5[%dma_start3A_595, %dma_start3A_605, %dma_start3A_606] : memref<2x5x128xi32, #tpu.memory_space<vmem>> -> memref<1x5x128xi32, #tpu.memory_space<vmem>>
      %dma_start3A_608 = tpu.memref_squeeze %dma_start3A_607 : memref<1x5x128xi32, #tpu.memory_space<vmem>> -> memref<5x128xi32, #tpu.memory_space<vmem>>
      %dma_start3A_609 = arith.constant 0 : i32
      %dma_start3A_610 = tpu.memref_slice %dma_start3A_608[%dma_start3A_596, %dma_start3A_609] : memref<5x128xi32, #tpu.memory_space<vmem>> -> memref<1x128xi32, #tpu.memory_space<vmem>>
      %dma_start3A_611 = tpu.memref_squeeze %dma_start3A_610 : memref<1x128xi32, #tpu.memory_space<vmem>> -> memref<128xi32, #tpu.memory_space<vmem>>
      %dma_start3A_612 = arith.constant 0 : i32
      %dma_start3A_613 = arith.constant 0 : i32
      %dma_start3A_614 = tpu.memref_slice %arg3[%dma_start3A_612, %dma_start3A_613] : memref<1000000x64xf32, #tpu.memory_space<hbm>> -> memref<1000000x64xf32, #tpu.memory_space<hbm>>
      tpu.enqueue_indirect_dma source(%dma_start3A_614 : memref<1000000x64xf32, #tpu.memory_space<hbm>>) target(%dma_start3A_604 : memref<128x64xf32, #tpu.memory_space<vmem>>) offsets(%dma_start3A_611 : memref<128xi32, #tpu.memory_space<vmem>>) semaphore(%arg7 : memref<!tpu.dma_semaphore, #tpu.memory_space<semaphore_mem>>)
      %dma_start3A_615 = arith.constant 0 : i32
      %dma_start3A_616 = arith.constant 4 : i32
      %dma_start3A_617 = arith.constant 0 : i32
      %dma_start3A_618 = arith.constant 0 : i32
      %dma_start3A_619 = arith.constant 0 : i32
      %dma_start3A_620 = tpu.memref_slice %arg6[%dma_start3A_617, %dma_start3A_618, %dma_start3A_619] : memref<2x640x64xf32, #tpu.memory_space<vmem>> -> memref<1x640x64xf32, #tpu.memory_space<vmem>>
      %dma_start3A_621 = tpu.memref_squeeze %dma_start3A_620 : memref<1x640x64xf32, #tpu.memory_space<vmem>> -> memref<640x64xf32, #tpu.memory_space<vmem>>
      %dma_start3A_622 = arith.constant 512 : i32
      %dma_start3A_623 = arith.constant 0 : i32
      %dma_start3A_624 = tpu.memref_slice %dma_start3A_621[%dma_start3A_622, %dma_start3A_623] : memref<640x64xf32, #tpu.memory_space<vmem>> -> memref<128x64xf32, #tpu.memory_space<vmem>>
      %dma_start3A_625 = arith.constant 0 : i32
      %dma_start3A_626 = arith.constant 0 : i32
      %dma_start3A_627 = tpu.memref_slice %arg5[%dma_start3A_615, %dma_start3A_625, %dma_start3A_626] : memref<2x5x128xi32, #tpu.memory_space<vmem>> -> memref<1x5x128xi32, #tpu.memory_space<vmem>>
      %dma_start3A_628 = tpu.memref_squeeze %dma_start3A_627 : memref<1x5x128xi32, #tpu.memory_space<vmem>> -> memref<5x128xi32, #tpu.memory_space<vmem>>
      %dma_start3A_629 = arith.constant 0 : i32
      %dma_start3A_630 = tpu.memref_slice %dma_start3A_628[%dma_start3A_616, %dma_start3A_629] : memref<5x128xi32, #tpu.memory_space<vmem>> -> memref<1x128xi32, #tpu.memory_space<vmem>>
      %dma_start3A_631 = tpu.memref_squeeze %dma_start3A_630 : memref<1x128xi32, #tpu.memory_space<vmem>> -> memref<128xi32, #tpu.memory_space<vmem>>
      %dma_start3A_632 = arith.constant 0 : i32
      %dma_start3A_633 = arith.constant 0 : i32
      %dma_start3A_634 = tpu.memref_slice %arg3[%dma_start3A_632, %dma_start3A_633] : memref<1000000x64xf32, #tpu.memory_space<hbm>> -> memref<1000000x64xf32, #tpu.memory_space<hbm>>
      tpu.enqueue_indirect_dma source(%dma_start3A_634 : memref<1000000x64xf32, #tpu.memory_space<hbm>>) target(%dma_start3A_624 : memref<128x64xf32, #tpu.memory_space<vmem>>) offsets(%dma_start3A_631 : memref<128xi32, #tpu.memory_space<vmem>>) semaphore(%arg7 : memref<!tpu.dma_semaphore, #tpu.memory_space<semaphore_mem>>)
      %add3A_635 = arith.constant 1 : i32
      %add3A_636 = arith.addi %add3A_422, %add3A_635 : i32
      %dma_wait3A_637 = arith.constant 1 : i32
      %dma_wait3A_638 = arith.constant 0 : i32
      %dma_wait3A_639 = arith.constant 1 : i32
      %dma_wait3A_640 = arith.constant 0 : i32
      %dma_wait3A_641 = arith.constant 0 : i32
      %dma_wait3A_642 = tpu.memref_slice %arg6[%dma_wait3A_639, %dma_wait3A_640, %dma_wait3A_641] : memref<2x640x64xf32, #tpu.memory_space<vmem>> -> memref<1x640x64xf32, #tpu.memory_space<vmem>>
      %dma_wait3A_643 = tpu.memref_squeeze %dma_wait3A_642 : memref<1x640x64xf32, #tpu.memory_space<vmem>> -> memref<640x64xf32, #tpu.memory_space<vmem>>
      %dma_wait3A_644 = arith.constant 0 : i32
      %dma_wait3A_645 = arith.constant 0 : i32
      %dma_wait3A_646 = tpu.memref_slice %dma_wait3A_643[%dma_wait3A_644, %dma_wait3A_645] : memref<640x64xf32, #tpu.memory_space<vmem>> -> memref<128x64xf32, #tpu.memory_space<vmem>>
      %dma_wait3A_647 = arith.constant 0 : i32
      %dma_wait3A_648 = arith.constant 0 : i32
      %dma_wait3A_649 = tpu.memref_slice %arg5[%dma_wait3A_637, %dma_wait3A_647, %dma_wait3A_648] : memref<2x5x128xi32, #tpu.memory_space<vmem>> -> memref<1x5x128xi32, #tpu.memory_space<vmem>>
      %dma_wait3A_650 = tpu.memref_squeeze %dma_wait3A_649 : memref<1x5x128xi32, #tpu.memory_space<vmem>> -> memref<5x128xi32, #tpu.memory_space<vmem>>
      %dma_wait3A_651 = arith.constant 0 : i32
      %dma_wait3A_652 = tpu.memref_slice %dma_wait3A_650[%dma_wait3A_638, %dma_wait3A_651] : memref<5x128xi32, #tpu.memory_space<vmem>> -> memref<1x128xi32, #tpu.memory_space<vmem>>
      %dma_wait3A_653 = tpu.memref_squeeze %dma_wait3A_652 : memref<1x128xi32, #tpu.memory_space<vmem>> -> memref<128xi32, #tpu.memory_space<vmem>>
      %dma_wait3A_654 = arith.constant 0 : i32
      %dma_wait3A_655 = arith.constant 0 : i32
      %dma_wait3A_656 = tpu.memref_slice %arg3[%dma_wait3A_654, %dma_wait3A_655] : memref<1000000x64xf32, #tpu.memory_space<hbm>> -> memref<1000000x64xf32, #tpu.memory_space<hbm>>
      tpu.wait_indirect_dma semaphore(%arg8 : memref<!tpu.dma_semaphore, #tpu.memory_space<semaphore_mem>>) src(%dma_wait3A_656 : memref<1000000x64xf32, #tpu.memory_space<hbm>>) dst(%dma_wait3A_646 : memref<128x64xf32, #tpu.memory_space<vmem>>)
      %dma_wait3A_657 = arith.constant 1 : i32
      %dma_wait3A_658 = arith.constant 1 : i32
      %dma_wait3A_659 = arith.constant 1 : i32
      %dma_wait3A_660 = arith.constant 0 : i32
      %dma_wait3A_661 = arith.constant 0 : i32
      %dma_wait3A_662 = tpu.memref_slice %arg6[%dma_wait3A_659, %dma_wait3A_660, %dma_wait3A_661] : memref<2x640x64xf32, #tpu.memory_space<vmem>> -> memref<1x640x64xf32, #tpu.memory_space<vmem>>
      %dma_wait3A_663 = tpu.memref_squeeze %dma_wait3A_662 : memref<1x640x64xf32, #tpu.memory_space<vmem>> -> memref<640x64xf32, #tpu.memory_space<vmem>>
      %dma_wait3A_664 = arith.constant 128 : i32
      %dma_wait3A_665 = arith.constant 0 : i32
      %dma_wait3A_666 = tpu.memref_slice %dma_wait3A_663[%dma_wait3A_664, %dma_wait3A_665] : memref<640x64xf32, #tpu.memory_space<vmem>> -> memref<128x64xf32, #tpu.memory_space<vmem>>
      %dma_wait3A_667 = arith.constant 0 : i32
      %dma_wait3A_668 = arith.constant 0 : i32
      %dma_wait3A_669 = tpu.memref_slice %arg5[%dma_wait3A_657, %dma_wait3A_667, %dma_wait3A_668] : memref<2x5x128xi32, #tpu.memory_space<vmem>> -> memref<1x5x128xi32, #tpu.memory_space<vmem>>
      %dma_wait3A_670 = tpu.memref_squeeze %dma_wait3A_669 : memref<1x5x128xi32, #tpu.memory_space<vmem>> -> memref<5x128xi32, #tpu.memory_space<vmem>>
      %dma_wait3A_671 = arith.constant 0 : i32
      %dma_wait3A_672 = tpu.memref_slice %dma_wait3A_670[%dma_wait3A_658, %dma_wait3A_671] : memref<5x128xi32, #tpu.memory_space<vmem>> -> memref<1x128xi32, #tpu.memory_space<vmem>>
      %dma_wait3A_673 = tpu.memref_squeeze %dma_wait3A_672 : memref<1x128xi32, #tpu.memory_space<vmem>> -> memref<128xi32, #tpu.memory_space<vmem>>
      %dma_wait3A_674 = arith.constant 0 : i32
      %dma_wait3A_675 = arith.constant 0 : i32
      %dma_wait3A_676 = tpu.memref_slice %arg3[%dma_wait3A_674, %dma_wait3A_675] : memref<1000000x64xf32, #tpu.memory_space<hbm>> -> memref<1000000x64xf32, #tpu.memory_space<hbm>>
      tpu.wait_indirect_dma semaphore(%arg8 : memref<!tpu.dma_semaphore, #tpu.memory_space<semaphore_mem>>) src(%dma_wait3A_676 : memref<1000000x64xf32, #tpu.memory_space<hbm>>) dst(%dma_wait3A_666 : memref<128x64xf32, #tpu.memory_space<vmem>>)
      %dma_wait3A_677 = arith.constant 1 : i32
      %dma_wait3A_678 = arith.constant 2 : i32
      %dma_wait3A_679 = arith.constant 1 : i32
      %dma_wait3A_680 = arith.constant 0 : i32
      %dma_wait3A_681 = arith.constant 0 : i32
      %dma_wait3A_682 = tpu.memref_slice %arg6[%dma_wait3A_679, %dma_wait3A_680, %dma_wait3A_681] : memref<2x640x64xf32, #tpu.memory_space<vmem>> -> memref<1x640x64xf32, #tpu.memory_space<vmem>>
      %dma_wait3A_683 = tpu.memref_squeeze %dma_wait3A_682 : memref<1x640x64xf32, #tpu.memory_space<vmem>> -> memref<640x64xf32, #tpu.memory_space<vmem>>
      %dma_wait3A_684 = arith.constant 256 : i32
      %dma_wait3A_685 = arith.constant 0 : i32
      %dma_wait3A_686 = tpu.memref_slice %dma_wait3A_683[%dma_wait3A_684, %dma_wait3A_685] : memref<640x64xf32, #tpu.memory_space<vmem>> -> memref<128x64xf32, #tpu.memory_space<vmem>>
      %dma_wait3A_687 = arith.constant 0 : i32
      %dma_wait3A_688 = arith.constant 0 : i32
      %dma_wait3A_689 = tpu.memref_slice %arg5[%dma_wait3A_677, %dma_wait3A_687, %dma_wait3A_688] : memref<2x5x128xi32, #tpu.memory_space<vmem>> -> memref<1x5x128xi32, #tpu.memory_space<vmem>>
      %dma_wait3A_690 = tpu.memref_squeeze %dma_wait3A_689 : memref<1x5x128xi32, #tpu.memory_space<vmem>> -> memref<5x128xi32, #tpu.memory_space<vmem>>
      %dma_wait3A_691 = arith.constant 0 : i32
      %dma_wait3A_692 = tpu.memref_slice %dma_wait3A_690[%dma_wait3A_678, %dma_wait3A_691] : memref<5x128xi32, #tpu.memory_space<vmem>> -> memref<1x128xi32, #tpu.memory_space<vmem>>
      %dma_wait3A_693 = tpu.memref_squeeze %dma_wait3A_692 : memref<1x128xi32, #tpu.memory_space<vmem>> -> memref<128xi32, #tpu.memory_space<vmem>>
      %dma_wait3A_694 = arith.constant 0 : i32
      %dma_wait3A_695 = arith.constant 0 : i32
      %dma_wait3A_696 = tpu.memref_slice %arg3[%dma_wait3A_694, %dma_wait3A_695] : memref<1000000x64xf32, #tpu.memory_space<hbm>> -> memref<1000000x64xf32, #tpu.memory_space<hbm>>
      tpu.wait_indirect_dma semaphore(%arg8 : memref<!tpu.dma_semaphore, #tpu.memory_space<semaphore_mem>>) src(%dma_wait3A_696 : memref<1000000x64xf32, #tpu.memory_space<hbm>>) dst(%dma_wait3A_686 : memref<128x64xf32, #tpu.memory_space<vmem>>)
      %dma_wait3A_697 = arith.constant 1 : i32
      %dma_wait3A_698 = arith.constant 3 : i32
      %dma_wait3A_699 = arith.constant 1 : i32
      %dma_wait3A_700 = arith.constant 0 : i32
      %dma_wait3A_701 = arith.constant 0 : i32
      %dma_wait3A_702 = tpu.memref_slice %arg6[%dma_wait3A_699, %dma_wait3A_700, %dma_wait3A_701] : memref<2x640x64xf32, #tpu.memory_space<vmem>> -> memref<1x640x64xf32, #tpu.memory_space<vmem>>
      %dma_wait3A_703 = tpu.memref_squeeze %dma_wait3A_702 : memref<1x640x64xf32, #tpu.memory_space<vmem>> -> memref<640x64xf32, #tpu.memory_space<vmem>>
      %dma_wait3A_704 = arith.constant 384 : i32
      %dma_wait3A_705 = arith.constant 0 : i32
      %dma_wait3A_706 = tpu.memref_slice %dma_wait3A_703[%dma_wait3A_704, %dma_wait3A_705] : memref<640x64xf32, #tpu.memory_space<vmem>> -> memref<128x64xf32, #tpu.memory_space<vmem>>
      %dma_wait3A_707 = arith.constant 0 : i32
      %dma_wait3A_708 = arith.constant 0 : i32
      %dma_wait3A_709 = tpu.memref_slice %arg5[%dma_wait3A_697, %dma_wait3A_707, %dma_wait3A_708] : memref<2x5x128xi32, #tpu.memory_space<vmem>> -> memref<1x5x128xi32, #tpu.memory_space<vmem>>
      %dma_wait3A_710 = tpu.memref_squeeze %dma_wait3A_709 : memref<1x5x128xi32, #tpu.memory_space<vmem>> -> memref<5x128xi32, #tpu.memory_space<vmem>>
      %dma_wait3A_711 = arith.constant 0 : i32
      %dma_wait3A_712 = tpu.memref_slice %dma_wait3A_710[%dma_wait3A_698, %dma_wait3A_711] : memref<5x128xi32, #tpu.memory_space<vmem>> -> memref<1x128xi32, #tpu.memory_space<vmem>>
      %dma_wait3A_713 = tpu.memref_squeeze %dma_wait3A_712 : memref<1x128xi32, #tpu.memory_space<vmem>> -> memref<128xi32, #tpu.memory_space<vmem>>
      %dma_wait3A_714 = arith.constant 0 : i32
      %dma_wait3A_715 = arith.constant 0 : i32
      %dma_wait3A_716 = tpu.memref_slice %arg3[%dma_wait3A_714, %dma_wait3A_715] : memref<1000000x64xf32, #tpu.memory_space<hbm>> -> memref<1000000x64xf32, #tpu.memory_space<hbm>>
      tpu.wait_indirect_dma semaphore(%arg8 : memref<!tpu.dma_semaphore, #tpu.memory_space<semaphore_mem>>) src(%dma_wait3A_716 : memref<1000000x64xf32, #tpu.memory_space<hbm>>) dst(%dma_wait3A_706 : memref<128x64xf32, #tpu.memory_space<vmem>>)
      %dma_wait3A_717 = arith.constant 1 : i32
      %dma_wait3A_718 = arith.constant 4 : i32
      %dma_wait3A_719 = arith.constant 1 : i32
      %dma_wait3A_720 = arith.constant 0 : i32
      %dma_wait3A_721 = arith.constant 0 : i32
      %dma_wait3A_722 = tpu.memref_slice %arg6[%dma_wait3A_719, %dma_wait3A_720, %dma_wait3A_721] : memref<2x640x64xf32, #tpu.memory_space<vmem>> -> memref<1x640x64xf32, #tpu.memory_space<vmem>>
      %dma_wait3A_723 = tpu.memref_squeeze %dma_wait3A_722 : memref<1x640x64xf32, #tpu.memory_space<vmem>> -> memref<640x64xf32, #tpu.memory_space<vmem>>
      %dma_wait3A_724 = arith.constant 512 : i32
      %dma_wait3A_725 = arith.constant 0 : i32
      %dma_wait3A_726 = tpu.memref_slice %dma_wait3A_723[%dma_wait3A_724, %dma_wait3A_725] : memref<640x64xf32, #tpu.memory_space<vmem>> -> memref<128x64xf32, #tpu.memory_space<vmem>>
      %dma_wait3A_727 = arith.constant 0 : i32
      %dma_wait3A_728 = arith.constant 0 : i32
      %dma_wait3A_729 = tpu.memref_slice %arg5[%dma_wait3A_717, %dma_wait3A_727, %dma_wait3A_728] : memref<2x5x128xi32, #tpu.memory_space<vmem>> -> memref<1x5x128xi32, #tpu.memory_space<vmem>>
      %dma_wait3A_730 = tpu.memref_squeeze %dma_wait3A_729 : memref<1x5x128xi32, #tpu.memory_space<vmem>> -> memref<5x128xi32, #tpu.memory_space<vmem>>
      %dma_wait3A_731 = arith.constant 0 : i32
      %dma_wait3A_732 = tpu.memref_slice %dma_wait3A_730[%dma_wait3A_718, %dma_wait3A_731] : memref<5x128xi32, #tpu.memory_space<vmem>> -> memref<1x128xi32, #tpu.memory_space<vmem>>
      %dma_wait3A_733 = tpu.memref_squeeze %dma_wait3A_732 : memref<1x128xi32, #tpu.memory_space<vmem>> -> memref<128xi32, #tpu.memory_space<vmem>>
      %dma_wait3A_734 = arith.constant 0 : i32
      %dma_wait3A_735 = arith.constant 0 : i32
      %dma_wait3A_736 = tpu.memref_slice %arg3[%dma_wait3A_734, %dma_wait3A_735] : memref<1000000x64xf32, #tpu.memory_space<hbm>> -> memref<1000000x64xf32, #tpu.memory_space<hbm>>
      tpu.wait_indirect_dma semaphore(%arg8 : memref<!tpu.dma_semaphore, #tpu.memory_space<semaphore_mem>>) src(%dma_wait3A_736 : memref<1000000x64xf32, #tpu.memory_space<hbm>>) dst(%dma_wait3A_726 : memref<128x64xf32, #tpu.memory_space<vmem>>)
      %mul3A_737 = arith.constant 640 : i32
      %mul3A_738 = arith.muli %add3A_636, %mul3A_737 : i32
      %add3A_739 = arith.addi %mul3A_4, %mul3A_738 : i32
      %run_scoped3A_740 = arith.constant 1 : i32
      "tpu.region"() ({
        %run_scoped3A_847 = tpu.sem_alloc : memref<!tpu.dma_semaphore, #tpu.memory_space<semaphore_mem>>
        %dma_start3A_848 = arith.constant 0 : i32
        %dma_start3A_849 = arith.constant 0 : i32
        %dma_start3A_850 = tpu.memref_slice %arg6[%run_scoped3A_740, %dma_start3A_848, %dma_start3A_849] : memref<2x640x64xf32, #tpu.memory_space<vmem>> -> memref<1x640x64xf32, #tpu.memory_space<vmem>>
        %dma_start3A_851 = tpu.memref_squeeze %dma_start3A_850 : memref<1x640x64xf32, #tpu.memory_space<vmem>> -> memref<640x64xf32, #tpu.memory_space<vmem>>
        %dma_start3A_852 = arith.constant 0 : i32
        %dma_start3A_853 = tpu.memref_slice %arg4[%add3A_739, %dma_start3A_852] : memref<819200x128xf32, #tpu.memory_space<hbm>> -> memref<640x64xf32, #tpu.memory_space<hbm>>
        %dma_start3A_854 = arith.constant 0 : i32
        %dma_start3A_855 = tpu.memref_slice %arg4[%add3A_739, %dma_start3A_854] : memref<819200x128xf32, #tpu.memory_space<hbm>> -> memref<640x64xf32, #tpu.memory_space<hbm>>
        %dma_start3A_856 = arith.constant 0 : i32
        %dma_start3A_857 = arith.constant 0 : i32
        %dma_start3A_858 = tpu.memref_slice %arg6[%run_scoped3A_740, %dma_start3A_856, %dma_start3A_857] : memref<2x640x64xf32, #tpu.memory_space<vmem>> -> memref<1x640x64xf32, #tpu.memory_space<vmem>>
        %dma_start3A_859 = tpu.memref_squeeze %dma_start3A_858 : memref<1x640x64xf32, #tpu.memory_space<vmem>> -> memref<640x64xf32, #tpu.memory_space<vmem>>
        tpu.enqueue_dma source(%dma_start3A_859 : memref<640x64xf32, #tpu.memory_space<vmem>>) target(%dma_start3A_855 : memref<640x64xf32, #tpu.memory_space<hbm>>) target_semaphore(%run_scoped3A_847 : memref<!tpu.dma_semaphore, #tpu.memory_space<semaphore_mem>>)
        %dma_wait3A_860 = arith.constant 0 : i32
        %dma_wait3A_861 = arith.constant 0 : i32
        %dma_wait3A_862 = tpu.memref_slice %arg6[%run_scoped3A_740, %dma_wait3A_860, %dma_wait3A_861] : memref<2x640x64xf32, #tpu.memory_space<vmem>> -> memref<1x640x64xf32, #tpu.memory_space<vmem>>
        %dma_wait3A_863 = tpu.memref_squeeze %dma_wait3A_862 : memref<1x640x64xf32, #tpu.memory_space<vmem>> -> memref<640x64xf32, #tpu.memory_space<vmem>>
        %dma_wait3A_864 = arith.constant 0 : i32
        %dma_wait3A_865 = tpu.memref_slice %arg4[%add3A_739, %dma_wait3A_864] : memref<819200x128xf32, #tpu.memory_space<hbm>> -> memref<640x64xf32, #tpu.memory_space<hbm>>
        %dma_wait3A_866 = arith.constant 0 : i32
        %dma_wait3A_867 = tpu.memref_slice %arg4[%add3A_739, %dma_wait3A_866] : memref<819200x128xf32, #tpu.memory_space<hbm>> -> memref<640x64xf32, #tpu.memory_space<hbm>>
        %dma_wait3A_868 = arith.constant 0 : i32
        %dma_wait3A_869 = arith.constant 0 : i32
        %dma_wait3A_870 = tpu.memref_slice %arg6[%run_scoped3A_740, %dma_wait3A_868, %dma_wait3A_869] : memref<2x640x64xf32, #tpu.memory_space<vmem>> -> memref<1x640x64xf32, #tpu.memory_space<vmem>>
        %dma_wait3A_871 = tpu.memref_squeeze %dma_wait3A_870 : memref<1x640x64xf32, #tpu.memory_space<vmem>> -> memref<640x64xf32, #tpu.memory_space<vmem>>
        tpu.wait_dma2 semaphore(%run_scoped3A_847 : memref<!tpu.dma_semaphore, #tpu.memory_space<semaphore_mem>>) src(%dma_wait3A_871 : memref<640x64xf32, #tpu.memory_space<vmem>>) dst(%dma_wait3A_867 : memref<640x64xf32, #tpu.memory_space<hbm>>)
        tpu.yield
      }) : () -> ()
      %add3A_741 = arith.constant 2 : i32
      %add3A_742 = arith.addi %add3A_636, %add3A_741 : i32
      %mul3A_743 = arith.constant 5 : i32
      %mul3A_744 = arith.muli %add3A_742, %mul3A_743 : i32
      %add3A_745 = arith.addi %mul3A_2, %mul3A_744 : i32
      %run_scoped3A_746 = arith.constant 1 : i32
      "tpu.region"() ({
        %run_scoped3A_847 = tpu.sem_alloc : memref<!tpu.dma_semaphore, #tpu.memory_space<semaphore_mem>>
        %dma_start3A_848 = arith.constant 0 : i32
        %dma_start3A_849 = arith.constant 0 : i32
        %dma_start3A_850 = tpu.memref_slice %arg5[%run_scoped3A_746, %dma_start3A_848, %dma_start3A_849] : memref<2x5x128xi32, #tpu.memory_space<vmem>> -> memref<1x5x128xi32, #tpu.memory_space<vmem>>
        %dma_start3A_851 = tpu.memref_squeeze %dma_start3A_850 : memref<1x5x128xi32, #tpu.memory_space<vmem>> -> memref<5x128xi32, #tpu.memory_space<vmem>>
        %dma_start3A_852 = arith.constant 0 : i32
        %dma_start3A_853 = tpu.memref_slice %arg2[%add3A_745, %dma_start3A_852] : memref<6400x128xi32, #tpu.memory_space<hbm>> -> memref<5x128xi32, #tpu.memory_space<hbm>>
        %dma_start3A_854 = arith.constant 0 : i32
        %dma_start3A_855 = arith.constant 0 : i32
        %dma_start3A_856 = tpu.memref_slice %arg5[%run_scoped3A_746, %dma_start3A_854, %dma_start3A_855] : memref<2x5x128xi32, #tpu.memory_space<vmem>> -> memref<1x5x128xi32, #tpu.memory_space<vmem>>
        %dma_start3A_857 = tpu.memref_squeeze %dma_start3A_856 : memref<1x5x128xi32, #tpu.memory_space<vmem>> -> memref<5x128xi32, #tpu.memory_space<vmem>>
        %dma_start3A_858 = arith.constant 0 : i32
        %dma_start3A_859 = tpu.memref_slice %arg2[%add3A_745, %dma_start3A_858] : memref<6400x128xi32, #tpu.memory_space<hbm>> -> memref<5x128xi32, #tpu.memory_space<hbm>>
        tpu.enqueue_dma source(%dma_start3A_859 : memref<5x128xi32, #tpu.memory_space<hbm>>) target(%dma_start3A_857 : memref<5x128xi32, #tpu.memory_space<vmem>>) target_semaphore(%run_scoped3A_847 : memref<!tpu.dma_semaphore, #tpu.memory_space<semaphore_mem>>)
        %dma_wait3A_860 = arith.constant 0 : i32
        %dma_wait3A_861 = arith.constant 0 : i32
        %dma_wait3A_862 = tpu.memref_slice %arg5[%run_scoped3A_746, %dma_wait3A_860, %dma_wait3A_861] : memref<2x5x128xi32, #tpu.memory_space<vmem>> -> memref<1x5x128xi32, #tpu.memory_space<vmem>>
        %dma_wait3A_863 = tpu.memref_squeeze %dma_wait3A_862 : memref<1x5x128xi32, #tpu.memory_space<vmem>> -> memref<5x128xi32, #tpu.memory_space<vmem>>
        %dma_wait3A_864 = arith.constant 0 : i32
        %dma_wait3A_865 = tpu.memref_slice %arg2[%add3A_745, %dma_wait3A_864] : memref<6400x128xi32, #tpu.memory_space<hbm>> -> memref<5x128xi32, #tpu.memory_space<hbm>>
        %dma_wait3A_866 = arith.constant 0 : i32
        %dma_wait3A_867 = arith.constant 0 : i32
        %dma_wait3A_868 = tpu.memref_slice %arg5[%run_scoped3A_746, %dma_wait3A_866, %dma_wait3A_867] : memref<2x5x128xi32, #tpu.memory_space<vmem>> -> memref<1x5x128xi32, #tpu.memory_space<vmem>>
        %dma_wait3A_869 = tpu.memref_squeeze %dma_wait3A_868 : memref<1x5x128xi32, #tpu.memory_space<vmem>> -> memref<5x128xi32, #tpu.memory_space<vmem>>
        %dma_wait3A_870 = arith.constant 0 : i32
        %dma_wait3A_871 = tpu.memref_slice %arg2[%add3A_745, %dma_wait3A_870] : memref<6400x128xi32, #tpu.memory_space<hbm>> -> memref<5x128xi32, #tpu.memory_space<hbm>>
        tpu.wait_dma2 semaphore(%run_scoped3A_847 : memref<!tpu.dma_semaphore, #tpu.memory_space<semaphore_mem>>) src(%dma_wait3A_871 : memref<5x128xi32, #tpu.memory_space<hbm>>) dst(%dma_wait3A_869 : memref<5x128xi32, #tpu.memory_space<vmem>>)
        tpu.yield
      }) : () -> ()
      %dma_start3A_747 = arith.constant 1 : i32
      %dma_start3A_748 = arith.constant 0 : i32
      %dma_start3A_749 = arith.constant 1 : i32
      %dma_start3A_750 = arith.constant 0 : i32
      %dma_start3A_751 = arith.constant 0 : i32
      %dma_start3A_752 = tpu.memref_slice %arg6[%dma_start3A_749, %dma_start3A_750, %dma_start3A_751] : memref<2x640x64xf32, #tpu.memory_space<vmem>> -> memref<1x640x64xf32, #tpu.memory_space<vmem>>
      %dma_start3A_753 = tpu.memref_squeeze %dma_start3A_752 : memref<1x640x64xf32, #tpu.memory_space<vmem>> -> memref<640x64xf32, #tpu.memory_space<vmem>>
      %dma_start3A_754 = arith.constant 0 : i32
      %dma_start3A_755 = arith.constant 0 : i32
      %dma_start3A_756 = tpu.memref_slice %dma_start3A_753[%dma_start3A_754, %dma_start3A_755] : memref<640x64xf32, #tpu.memory_space<vmem>> -> memref<128x64xf32, #tpu.memory_space<vmem>>
      %dma_start3A_757 = arith.constant 0 : i32
      %dma_start3A_758 = arith.constant 0 : i32
      %dma_start3A_759 = tpu.memref_slice %arg5[%dma_start3A_747, %dma_start3A_757, %dma_start3A_758] : memref<2x5x128xi32, #tpu.memory_space<vmem>> -> memref<1x5x128xi32, #tpu.memory_space<vmem>>
      %dma_start3A_760 = tpu.memref_squeeze %dma_start3A_759 : memref<1x5x128xi32, #tpu.memory_space<vmem>> -> memref<5x128xi32, #tpu.memory_space<vmem>>
      %dma_start3A_761 = arith.constant 0 : i32
      %dma_start3A_762 = tpu.memref_slice %dma_start3A_760[%dma_start3A_748, %dma_start3A_761] : memref<5x128xi32, #tpu.memory_space<vmem>> -> memref<1x128xi32, #tpu.memory_space<vmem>>
      %dma_start3A_763 = tpu.memref_squeeze %dma_start3A_762 : memref<1x128xi32, #tpu.memory_space<vmem>> -> memref<128xi32, #tpu.memory_space<vmem>>
      %dma_start3A_764 = arith.constant 0 : i32
      %dma_start3A_765 = arith.constant 0 : i32
      %dma_start3A_766 = tpu.memref_slice %arg3[%dma_start3A_764, %dma_start3A_765] : memref<1000000x64xf32, #tpu.memory_space<hbm>> -> memref<1000000x64xf32, #tpu.memory_space<hbm>>
      tpu.enqueue_indirect_dma source(%dma_start3A_766 : memref<1000000x64xf32, #tpu.memory_space<hbm>>) target(%dma_start3A_756 : memref<128x64xf32, #tpu.memory_space<vmem>>) offsets(%dma_start3A_763 : memref<128xi32, #tpu.memory_space<vmem>>) semaphore(%arg8 : memref<!tpu.dma_semaphore, #tpu.memory_space<semaphore_mem>>)
      %dma_start3A_767 = arith.constant 1 : i32
      %dma_start3A_768 = arith.constant 1 : i32
      %dma_start3A_769 = arith.constant 1 : i32
      %dma_start3A_770 = arith.constant 0 : i32
      %dma_start3A_771 = arith.constant 0 : i32
      %dma_start3A_772 = tpu.memref_slice %arg6[%dma_start3A_769, %dma_start3A_770, %dma_start3A_771] : memref<2x640x64xf32, #tpu.memory_space<vmem>> -> memref<1x640x64xf32, #tpu.memory_space<vmem>>
      %dma_start3A_773 = tpu.memref_squeeze %dma_start3A_772 : memref<1x640x64xf32, #tpu.memory_space<vmem>> -> memref<640x64xf32, #tpu.memory_space<vmem>>
      %dma_start3A_774 = arith.constant 128 : i32
      %dma_start3A_775 = arith.constant 0 : i32
      %dma_start3A_776 = tpu.memref_slice %dma_start3A_773[%dma_start3A_774, %dma_start3A_775] : memref<640x64xf32, #tpu.memory_space<vmem>> -> memref<128x64xf32, #tpu.memory_space<vmem>>
      %dma_start3A_777 = arith.constant 0 : i32
      %dma_start3A_778 = arith.constant 0 : i32
      %dma_start3A_779 = tpu.memref_slice %arg5[%dma_start3A_767, %dma_start3A_777, %dma_start3A_778] : memref<2x5x128xi32, #tpu.memory_space<vmem>> -> memref<1x5x128xi32, #tpu.memory_space<vmem>>
      %dma_start3A_780 = tpu.memref_squeeze %dma_start3A_779 : memref<1x5x128xi32, #tpu.memory_space<vmem>> -> memref<5x128xi32, #tpu.memory_space<vmem>>
      %dma_start3A_781 = arith.constant 0 : i32
      %dma_start3A_782 = tpu.memref_slice %dma_start3A_780[%dma_start3A_768, %dma_start3A_781] : memref<5x128xi32, #tpu.memory_space<vmem>> -> memref<1x128xi32, #tpu.memory_space<vmem>>
      %dma_start3A_783 = tpu.memref_squeeze %dma_start3A_782 : memref<1x128xi32, #tpu.memory_space<vmem>> -> memref<128xi32, #tpu.memory_space<vmem>>
      %dma_start3A_784 = arith.constant 0 : i32
      %dma_start3A_785 = arith.constant 0 : i32
      %dma_start3A_786 = tpu.memref_slice %arg3[%dma_start3A_784, %dma_start3A_785] : memref<1000000x64xf32, #tpu.memory_space<hbm>> -> memref<1000000x64xf32, #tpu.memory_space<hbm>>
      tpu.enqueue_indirect_dma source(%dma_start3A_786 : memref<1000000x64xf32, #tpu.memory_space<hbm>>) target(%dma_start3A_776 : memref<128x64xf32, #tpu.memory_space<vmem>>) offsets(%dma_start3A_783 : memref<128xi32, #tpu.memory_space<vmem>>) semaphore(%arg8 : memref<!tpu.dma_semaphore, #tpu.memory_space<semaphore_mem>>)
      %dma_start3A_787 = arith.constant 1 : i32
      %dma_start3A_788 = arith.constant 2 : i32
      %dma_start3A_789 = arith.constant 1 : i32
      %dma_start3A_790 = arith.constant 0 : i32
      %dma_start3A_791 = arith.constant 0 : i32
      %dma_start3A_792 = tpu.memref_slice %arg6[%dma_start3A_789, %dma_start3A_790, %dma_start3A_791] : memref<2x640x64xf32, #tpu.memory_space<vmem>> -> memref<1x640x64xf32, #tpu.memory_space<vmem>>
      %dma_start3A_793 = tpu.memref_squeeze %dma_start3A_792 : memref<1x640x64xf32, #tpu.memory_space<vmem>> -> memref<640x64xf32, #tpu.memory_space<vmem>>
      %dma_start3A_794 = arith.constant 256 : i32
      %dma_start3A_795 = arith.constant 0 : i32
      %dma_start3A_796 = tpu.memref_slice %dma_start3A_793[%dma_start3A_794, %dma_start3A_795] : memref<640x64xf32, #tpu.memory_space<vmem>> -> memref<128x64xf32, #tpu.memory_space<vmem>>
      %dma_start3A_797 = arith.constant 0 : i32
      %dma_start3A_798 = arith.constant 0 : i32
      %dma_start3A_799 = tpu.memref_slice %arg5[%dma_start3A_787, %dma_start3A_797, %dma_start3A_798] : memref<2x5x128xi32, #tpu.memory_space<vmem>> -> memref<1x5x128xi32, #tpu.memory_space<vmem>>
      %dma_start3A_800 = tpu.memref_squeeze %dma_start3A_799 : memref<1x5x128xi32, #tpu.memory_space<vmem>> -> memref<5x128xi32, #tpu.memory_space<vmem>>
      %dma_start3A_801 = arith.constant 0 : i32
      %dma_start3A_802 = tpu.memref_slice %dma_start3A_800[%dma_start3A_788, %dma_start3A_801] : memref<5x128xi32, #tpu.memory_space<vmem>> -> memref<1x128xi32, #tpu.memory_space<vmem>>
      %dma_start3A_803 = tpu.memref_squeeze %dma_start3A_802 : memref<1x128xi32, #tpu.memory_space<vmem>> -> memref<128xi32, #tpu.memory_space<vmem>>
      %dma_start3A_804 = arith.constant 0 : i32
      %dma_start3A_805 = arith.constant 0 : i32
      %dma_start3A_806 = tpu.memref_slice %arg3[%dma_start3A_804, %dma_start3A_805] : memref<1000000x64xf32, #tpu.memory_space<hbm>> -> memref<1000000x64xf32, #tpu.memory_space<hbm>>
      tpu.enqueue_indirect_dma source(%dma_start3A_806 : memref<1000000x64xf32, #tpu.memory_space<hbm>>) target(%dma_start3A_796 : memref<128x64xf32, #tpu.memory_space<vmem>>) offsets(%dma_start3A_803 : memref<128xi32, #tpu.memory_space<vmem>>) semaphore(%arg8 : memref<!tpu.dma_semaphore, #tpu.memory_space<semaphore_mem>>)
      %dma_start3A_807 = arith.constant 1 : i32
      %dma_start3A_808 = arith.constant 3 : i32
      %dma_start3A_809 = arith.constant 1 : i32
      %dma_start3A_810 = arith.constant 0 : i32
      %dma_start3A_811 = arith.constant 0 : i32
      %dma_start3A_812 = tpu.memref_slice %arg6[%dma_start3A_809, %dma_start3A_810, %dma_start3A_811] : memref<2x640x64xf32, #tpu.memory_space<vmem>> -> memref<1x640x64xf32, #tpu.memory_space<vmem>>
      %dma_start3A_813 = tpu.memref_squeeze %dma_start3A_812 : memref<1x640x64xf32, #tpu.memory_space<vmem>> -> memref<640x64xf32, #tpu.memory_space<vmem>>
      %dma_start3A_814 = arith.constant 384 : i32
      %dma_start3A_815 = arith.constant 0 : i32
      %dma_start3A_816 = tpu.memref_slice %dma_start3A_813[%dma_start3A_814, %dma_start3A_815] : memref<640x64xf32, #tpu.memory_space<vmem>> -> memref<128x64xf32, #tpu.memory_space<vmem>>
      %dma_start3A_817 = arith.constant 0 : i32
      %dma_start3A_818 = arith.constant 0 : i32
      %dma_start3A_819 = tpu.memref_slice %arg5[%dma_start3A_807, %dma_start3A_817, %dma_start3A_818] : memref<2x5x128xi32, #tpu.memory_space<vmem>> -> memref<1x5x128xi32, #tpu.memory_space<vmem>>
      %dma_start3A_820 = tpu.memref_squeeze %dma_start3A_819 : memref<1x5x128xi32, #tpu.memory_space<vmem>> -> memref<5x128xi32, #tpu.memory_space<vmem>>
      %dma_start3A_821 = arith.constant 0 : i32
      %dma_start3A_822 = tpu.memref_slice %dma_start3A_820[%dma_start3A_808, %dma_start3A_821] : memref<5x128xi32, #tpu.memory_space<vmem>> -> memref<1x128xi32, #tpu.memory_space<vmem>>
      %dma_start3A_823 = tpu.memref_squeeze %dma_start3A_822 : memref<1x128xi32, #tpu.memory_space<vmem>> -> memref<128xi32, #tpu.memory_space<vmem>>
      %dma_start3A_824 = arith.constant 0 : i32
      %dma_start3A_825 = arith.constant 0 : i32
      %dma_start3A_826 = tpu.memref_slice %arg3[%dma_start3A_824, %dma_start3A_825] : memref<1000000x64xf32, #tpu.memory_space<hbm>> -> memref<1000000x64xf32, #tpu.memory_space<hbm>>
      tpu.enqueue_indirect_dma source(%dma_start3A_826 : memref<1000000x64xf32, #tpu.memory_space<hbm>>) target(%dma_start3A_816 : memref<128x64xf32, #tpu.memory_space<vmem>>) offsets(%dma_start3A_823 : memref<128xi32, #tpu.memory_space<vmem>>) semaphore(%arg8 : memref<!tpu.dma_semaphore, #tpu.memory_space<semaphore_mem>>)
      %dma_start3A_827 = arith.constant 1 : i32
      %dma_start3A_828 = arith.constant 4 : i32
      %dma_start3A_829 = arith.constant 1 : i32
      %dma_start3A_830 = arith.constant 0 : i32
      %dma_start3A_831 = arith.constant 0 : i32
      %dma_start3A_832 = tpu.memref_slice %arg6[%dma_start3A_829, %dma_start3A_830, %dma_start3A_831] : memref<2x640x64xf32, #tpu.memory_space<vmem>> -> memref<1x640x64xf32, #tpu.memory_space<vmem>>
      %dma_start3A_833 = tpu.memref_squeeze %dma_start3A_832 : memref<1x640x64xf32, #tpu.memory_space<vmem>> -> memref<640x64xf32, #tpu.memory_space<vmem>>
      %dma_start3A_834 = arith.constant 512 : i32
      %dma_start3A_835 = arith.constant 0 : i32
      %dma_start3A_836 = tpu.memref_slice %dma_start3A_833[%dma_start3A_834, %dma_start3A_835] : memref<640x64xf32, #tpu.memory_space<vmem>> -> memref<128x64xf32, #tpu.memory_space<vmem>>
      %dma_start3A_837 = arith.constant 0 : i32
      %dma_start3A_838 = arith.constant 0 : i32
      %dma_start3A_839 = tpu.memref_slice %arg5[%dma_start3A_827, %dma_start3A_837, %dma_start3A_838] : memref<2x5x128xi32, #tpu.memory_space<vmem>> -> memref<1x5x128xi32, #tpu.memory_space<vmem>>
      %dma_start3A_840 = tpu.memref_squeeze %dma_start3A_839 : memref<1x5x128xi32, #tpu.memory_space<vmem>> -> memref<5x128xi32, #tpu.memory_space<vmem>>
      %dma_start3A_841 = arith.constant 0 : i32
      %dma_start3A_842 = tpu.memref_slice %dma_start3A_840[%dma_start3A_828, %dma_start3A_841] : memref<5x128xi32, #tpu.memory_space<vmem>> -> memref<1x128xi32, #tpu.memory_space<vmem>>
      %dma_start3A_843 = tpu.memref_squeeze %dma_start3A_842 : memref<1x128xi32, #tpu.memory_space<vmem>> -> memref<128xi32, #tpu.memory_space<vmem>>
      %dma_start3A_844 = arith.constant 0 : i32
      %dma_start3A_845 = arith.constant 0 : i32
      %dma_start3A_846 = tpu.memref_slice %arg3[%dma_start3A_844, %dma_start3A_845] : memref<1000000x64xf32, #tpu.memory_space<hbm>> -> memref<1000000x64xf32, #tpu.memory_space<hbm>>
      tpu.enqueue_indirect_dma source(%dma_start3A_846 : memref<1000000x64xf32, #tpu.memory_space<hbm>>) target(%dma_start3A_836 : memref<128x64xf32, #tpu.memory_space<vmem>>) offsets(%dma_start3A_843 : memref<128xi32, #tpu.memory_space<vmem>>) semaphore(%arg8 : memref<!tpu.dma_semaphore, #tpu.memory_space<semaphore_mem>>)
    }
    %scan3A_212 = arith.constant 19 : i32
    %dma_wait3A = arith.constant 0 : i32
    %dma_wait3A_213 = arith.constant 0 : i32
    %dma_wait3A_214 = arith.constant 0 : i32
    %dma_wait3A_215 = arith.constant 0 : i32
    %dma_wait3A_216 = arith.constant 0 : i32
    %dma_wait3A_217 = tpu.memref_slice %arg6[%dma_wait3A_214, %dma_wait3A_215, %dma_wait3A_216] : memref<2x640x64xf32, #tpu.memory_space<vmem>> -> memref<1x640x64xf32, #tpu.memory_space<vmem>>
    %dma_wait3A_218 = tpu.memref_squeeze %dma_wait3A_217 : memref<1x640x64xf32, #tpu.memory_space<vmem>> -> memref<640x64xf32, #tpu.memory_space<vmem>>
    %dma_wait3A_219 = arith.constant 0 : i32
    %dma_wait3A_220 = arith.constant 0 : i32
    %dma_wait3A_221 = tpu.memref_slice %dma_wait3A_218[%dma_wait3A_219, %dma_wait3A_220] : memref<640x64xf32, #tpu.memory_space<vmem>> -> memref<128x64xf32, #tpu.memory_space<vmem>>
    %dma_wait3A_222 = arith.constant 0 : i32
    %dma_wait3A_223 = arith.constant 0 : i32
    %dma_wait3A_224 = tpu.memref_slice %arg5[%dma_wait3A, %dma_wait3A_222, %dma_wait3A_223] : memref<2x5x128xi32, #tpu.memory_space<vmem>> -> memref<1x5x128xi32, #tpu.memory_space<vmem>>
    %dma_wait3A_225 = tpu.memref_squeeze %dma_wait3A_224 : memref<1x5x128xi32, #tpu.memory_space<vmem>> -> memref<5x128xi32, #tpu.memory_space<vmem>>
    %dma_wait3A_226 = arith.constant 0 : i32
    %dma_wait3A_227 = tpu.memref_slice %dma_wait3A_225[%dma_wait3A_213, %dma_wait3A_226] : memref<5x128xi32, #tpu.memory_space<vmem>> -> memref<1x128xi32, #tpu.memory_space<vmem>>
    %dma_wait3A_228 = tpu.memref_squeeze %dma_wait3A_227 : memref<1x128xi32, #tpu.memory_space<vmem>> -> memref<128xi32, #tpu.memory_space<vmem>>
    %dma_wait3A_229 = arith.constant 0 : i32
    %dma_wait3A_230 = arith.constant 0 : i32
    %dma_wait3A_231 = tpu.memref_slice %arg3[%dma_wait3A_229, %dma_wait3A_230] : memref<1000000x64xf32, #tpu.memory_space<hbm>> -> memref<1000000x64xf32, #tpu.memory_space<hbm>>
    tpu.wait_indirect_dma semaphore(%arg7 : memref<!tpu.dma_semaphore, #tpu.memory_space<semaphore_mem>>) src(%dma_wait3A_231 : memref<1000000x64xf32, #tpu.memory_space<hbm>>) dst(%dma_wait3A_221 : memref<128x64xf32, #tpu.memory_space<vmem>>)
    %dma_wait3A_232 = arith.constant 0 : i32
    %dma_wait3A_233 = arith.constant 1 : i32
    %dma_wait3A_234 = arith.constant 0 : i32
    %dma_wait3A_235 = arith.constant 0 : i32
    %dma_wait3A_236 = arith.constant 0 : i32
    %dma_wait3A_237 = tpu.memref_slice %arg6[%dma_wait3A_234, %dma_wait3A_235, %dma_wait3A_236] : memref<2x640x64xf32, #tpu.memory_space<vmem>> -> memref<1x640x64xf32, #tpu.memory_space<vmem>>
    %dma_wait3A_238 = tpu.memref_squeeze %dma_wait3A_237 : memref<1x640x64xf32, #tpu.memory_space<vmem>> -> memref<640x64xf32, #tpu.memory_space<vmem>>
    %dma_wait3A_239 = arith.constant 128 : i32
    %dma_wait3A_240 = arith.constant 0 : i32
    %dma_wait3A_241 = tpu.memref_slice %dma_wait3A_238[%dma_wait3A_239, %dma_wait3A_240] : memref<640x64xf32, #tpu.memory_space<vmem>> -> memref<128x64xf32, #tpu.memory_space<vmem>>
    %dma_wait3A_242 = arith.constant 0 : i32
    %dma_wait3A_243 = arith.constant 0 : i32
    %dma_wait3A_244 = tpu.memref_slice %arg5[%dma_wait3A_232, %dma_wait3A_242, %dma_wait3A_243] : memref<2x5x128xi32, #tpu.memory_space<vmem>> -> memref<1x5x128xi32, #tpu.memory_space<vmem>>
    %dma_wait3A_245 = tpu.memref_squeeze %dma_wait3A_244 : memref<1x5x128xi32, #tpu.memory_space<vmem>> -> memref<5x128xi32, #tpu.memory_space<vmem>>
    %dma_wait3A_246 = arith.constant 0 : i32
    %dma_wait3A_247 = tpu.memref_slice %dma_wait3A_245[%dma_wait3A_233, %dma_wait3A_246] : memref<5x128xi32, #tpu.memory_space<vmem>> -> memref<1x128xi32, #tpu.memory_space<vmem>>
    %dma_wait3A_248 = tpu.memref_squeeze %dma_wait3A_247 : memref<1x128xi32, #tpu.memory_space<vmem>> -> memref<128xi32, #tpu.memory_space<vmem>>
    %dma_wait3A_249 = arith.constant 0 : i32
    %dma_wait3A_250 = arith.constant 0 : i32
    %dma_wait3A_251 = tpu.memref_slice %arg3[%dma_wait3A_249, %dma_wait3A_250] : memref<1000000x64xf32, #tpu.memory_space<hbm>> -> memref<1000000x64xf32, #tpu.memory_space<hbm>>
    tpu.wait_indirect_dma semaphore(%arg7 : memref<!tpu.dma_semaphore, #tpu.memory_space<semaphore_mem>>) src(%dma_wait3A_251 : memref<1000000x64xf32, #tpu.memory_space<hbm>>) dst(%dma_wait3A_241 : memref<128x64xf32, #tpu.memory_space<vmem>>)
    %dma_wait3A_252 = arith.constant 0 : i32
    %dma_wait3A_253 = arith.constant 2 : i32
    %dma_wait3A_254 = arith.constant 0 : i32
    %dma_wait3A_255 = arith.constant 0 : i32
    %dma_wait3A_256 = arith.constant 0 : i32
    %dma_wait3A_257 = tpu.memref_slice %arg6[%dma_wait3A_254, %dma_wait3A_255, %dma_wait3A_256] : memref<2x640x64xf32, #tpu.memory_space<vmem>> -> memref<1x640x64xf32, #tpu.memory_space<vmem>>
    %dma_wait3A_258 = tpu.memref_squeeze %dma_wait3A_257 : memref<1x640x64xf32, #tpu.memory_space<vmem>> -> memref<640x64xf32, #tpu.memory_space<vmem>>
    %dma_wait3A_259 = arith.constant 256 : i32
    %dma_wait3A_260 = arith.constant 0 : i32
    %dma_wait3A_261 = tpu.memref_slice %dma_wait3A_258[%dma_wait3A_259, %dma_wait3A_260] : memref<640x64xf32, #tpu.memory_space<vmem>> -> memref<128x64xf32, #tpu.memory_space<vmem>>
    %dma_wait3A_262 = arith.constant 0 : i32
    %dma_wait3A_263 = arith.constant 0 : i32
    %dma_wait3A_264 = tpu.memref_slice %arg5[%dma_wait3A_252, %dma_wait3A_262, %dma_wait3A_263] : memref<2x5x128xi32, #tpu.memory_space<vmem>> -> memref<1x5x128xi32, #tpu.memory_space<vmem>>
    %dma_wait3A_265 = tpu.memref_squeeze %dma_wait3A_264 : memref<1x5x128xi32, #tpu.memory_space<vmem>> -> memref<5x128xi32, #tpu.memory_space<vmem>>
    %dma_wait3A_266 = arith.constant 0 : i32
    %dma_wait3A_267 = tpu.memref_slice %dma_wait3A_265[%dma_wait3A_253, %dma_wait3A_266] : memref<5x128xi32, #tpu.memory_space<vmem>> -> memref<1x128xi32, #tpu.memory_space<vmem>>
    %dma_wait3A_268 = tpu.memref_squeeze %dma_wait3A_267 : memref<1x128xi32, #tpu.memory_space<vmem>> -> memref<128xi32, #tpu.memory_space<vmem>>
    %dma_wait3A_269 = arith.constant 0 : i32
    %dma_wait3A_270 = arith.constant 0 : i32
    %dma_wait3A_271 = tpu.memref_slice %arg3[%dma_wait3A_269, %dma_wait3A_270] : memref<1000000x64xf32, #tpu.memory_space<hbm>> -> memref<1000000x64xf32, #tpu.memory_space<hbm>>
    tpu.wait_indirect_dma semaphore(%arg7 : memref<!tpu.dma_semaphore, #tpu.memory_space<semaphore_mem>>) src(%dma_wait3A_271 : memref<1000000x64xf32, #tpu.memory_space<hbm>>) dst(%dma_wait3A_261 : memref<128x64xf32, #tpu.memory_space<vmem>>)
    %dma_wait3A_272 = arith.constant 0 : i32
    %dma_wait3A_273 = arith.constant 3 : i32
    %dma_wait3A_274 = arith.constant 0 : i32
    %dma_wait3A_275 = arith.constant 0 : i32
    %dma_wait3A_276 = arith.constant 0 : i32
    %dma_wait3A_277 = tpu.memref_slice %arg6[%dma_wait3A_274, %dma_wait3A_275, %dma_wait3A_276] : memref<2x640x64xf32, #tpu.memory_space<vmem>> -> memref<1x640x64xf32, #tpu.memory_space<vmem>>
    %dma_wait3A_278 = tpu.memref_squeeze %dma_wait3A_277 : memref<1x640x64xf32, #tpu.memory_space<vmem>> -> memref<640x64xf32, #tpu.memory_space<vmem>>
    %dma_wait3A_279 = arith.constant 384 : i32
    %dma_wait3A_280 = arith.constant 0 : i32
    %dma_wait3A_281 = tpu.memref_slice %dma_wait3A_278[%dma_wait3A_279, %dma_wait3A_280] : memref<640x64xf32, #tpu.memory_space<vmem>> -> memref<128x64xf32, #tpu.memory_space<vmem>>
    %dma_wait3A_282 = arith.constant 0 : i32
    %dma_wait3A_283 = arith.constant 0 : i32
    %dma_wait3A_284 = tpu.memref_slice %arg5[%dma_wait3A_272, %dma_wait3A_282, %dma_wait3A_283] : memref<2x5x128xi32, #tpu.memory_space<vmem>> -> memref<1x5x128xi32, #tpu.memory_space<vmem>>
    %dma_wait3A_285 = tpu.memref_squeeze %dma_wait3A_284 : memref<1x5x128xi32, #tpu.memory_space<vmem>> -> memref<5x128xi32, #tpu.memory_space<vmem>>
    %dma_wait3A_286 = arith.constant 0 : i32
    %dma_wait3A_287 = tpu.memref_slice %dma_wait3A_285[%dma_wait3A_273, %dma_wait3A_286] : memref<5x128xi32, #tpu.memory_space<vmem>> -> memref<1x128xi32, #tpu.memory_space<vmem>>
    %dma_wait3A_288 = tpu.memref_squeeze %dma_wait3A_287 : memref<1x128xi32, #tpu.memory_space<vmem>> -> memref<128xi32, #tpu.memory_space<vmem>>
    %dma_wait3A_289 = arith.constant 0 : i32
    %dma_wait3A_290 = arith.constant 0 : i32
    %dma_wait3A_291 = tpu.memref_slice %arg3[%dma_wait3A_289, %dma_wait3A_290] : memref<1000000x64xf32, #tpu.memory_space<hbm>> -> memref<1000000x64xf32, #tpu.memory_space<hbm>>
    tpu.wait_indirect_dma semaphore(%arg7 : memref<!tpu.dma_semaphore, #tpu.memory_space<semaphore_mem>>) src(%dma_wait3A_291 : memref<1000000x64xf32, #tpu.memory_space<hbm>>) dst(%dma_wait3A_281 : memref<128x64xf32, #tpu.memory_space<vmem>>)
    %dma_wait3A_292 = arith.constant 0 : i32
    %dma_wait3A_293 = arith.constant 4 : i32
    %dma_wait3A_294 = arith.constant 0 : i32
    %dma_wait3A_295 = arith.constant 0 : i32
    %dma_wait3A_296 = arith.constant 0 : i32
    %dma_wait3A_297 = tpu.memref_slice %arg6[%dma_wait3A_294, %dma_wait3A_295, %dma_wait3A_296] : memref<2x640x64xf32, #tpu.memory_space<vmem>> -> memref<1x640x64xf32, #tpu.memory_space<vmem>>
    %dma_wait3A_298 = tpu.memref_squeeze %dma_wait3A_297 : memref<1x640x64xf32, #tpu.memory_space<vmem>> -> memref<640x64xf32, #tpu.memory_space<vmem>>
    %dma_wait3A_299 = arith.constant 512 : i32
    %dma_wait3A_300 = arith.constant 0 : i32
    %dma_wait3A_301 = tpu.memref_slice %dma_wait3A_298[%dma_wait3A_299, %dma_wait3A_300] : memref<640x64xf32, #tpu.memory_space<vmem>> -> memref<128x64xf32, #tpu.memory_space<vmem>>
    %dma_wait3A_302 = arith.constant 0 : i32
    %dma_wait3A_303 = arith.constant 0 : i32
    %dma_wait3A_304 = tpu.memref_slice %arg5[%dma_wait3A_292, %dma_wait3A_302, %dma_wait3A_303] : memref<2x5x128xi32, #tpu.memory_space<vmem>> -> memref<1x5x128xi32, #tpu.memory_space<vmem>>
    %dma_wait3A_305 = tpu.memref_squeeze %dma_wait3A_304 : memref<1x5x128xi32, #tpu.memory_space<vmem>> -> memref<5x128xi32, #tpu.memory_space<vmem>>
    %dma_wait3A_306 = arith.constant 0 : i32
    %dma_wait3A_307 = tpu.memref_slice %dma_wait3A_305[%dma_wait3A_293, %dma_wait3A_306] : memref<5x128xi32, #tpu.memory_space<vmem>> -> memref<1x128xi32, #tpu.memory_space<vmem>>
    %dma_wait3A_308 = tpu.memref_squeeze %dma_wait3A_307 : memref<1x128xi32, #tpu.memory_space<vmem>> -> memref<128xi32, #tpu.memory_space<vmem>>
    %dma_wait3A_309 = arith.constant 0 : i32
    %dma_wait3A_310 = arith.constant 0 : i32
    %dma_wait3A_311 = tpu.memref_slice %arg3[%dma_wait3A_309, %dma_wait3A_310] : memref<1000000x64xf32, #tpu.memory_space<hbm>> -> memref<1000000x64xf32, #tpu.memory_space<hbm>>
    tpu.wait_indirect_dma semaphore(%arg7 : memref<!tpu.dma_semaphore, #tpu.memory_space<semaphore_mem>>) src(%dma_wait3A_311 : memref<1000000x64xf32, #tpu.memory_space<hbm>>) dst(%dma_wait3A_301 : memref<128x64xf32, #tpu.memory_space<vmem>>)
    %add3A_312 = arith.constant 24320 : i32
    %add3A_313 = arith.addi %mul3A_4, %add3A_312 : i32
    %run_scoped3A_314 = arith.constant 0 : i32
    "tpu.region"() ({
      %run_scoped3A_418 = tpu.sem_alloc : memref<!tpu.dma_semaphore, #tpu.memory_space<semaphore_mem>>
      %dma_start3A_419 = arith.constant 0 : i32
      %dma_start3A_420 = arith.constant 0 : i32
      %dma_start3A_421 = tpu.memref_slice %arg6[%run_scoped3A_314, %dma_start3A_419, %dma_start3A_420] : memref<2x640x64xf32, #tpu.memory_space<vmem>> -> memref<1x640x64xf32, #tpu.memory_space<vmem>>
      %dma_start3A_422 = tpu.memref_squeeze %dma_start3A_421 : memref<1x640x64xf32, #tpu.memory_space<vmem>> -> memref<640x64xf32, #tpu.memory_space<vmem>>
      %dma_start3A_423 = arith.constant 0 : i32
      %dma_start3A_424 = tpu.memref_slice %arg4[%add3A_313, %dma_start3A_423] : memref<819200x128xf32, #tpu.memory_space<hbm>> -> memref<640x64xf32, #tpu.memory_space<hbm>>
      %dma_start3A_425 = arith.constant 0 : i32
      %dma_start3A_426 = tpu.memref_slice %arg4[%add3A_313, %dma_start3A_425] : memref<819200x128xf32, #tpu.memory_space<hbm>> -> memref<640x64xf32, #tpu.memory_space<hbm>>
      %dma_start3A_427 = arith.constant 0 : i32
      %dma_start3A_428 = arith.constant 0 : i32
      %dma_start3A_429 = tpu.memref_slice %arg6[%run_scoped3A_314, %dma_start3A_427, %dma_start3A_428] : memref<2x640x64xf32, #tpu.memory_space<vmem>> -> memref<1x640x64xf32, #tpu.memory_space<vmem>>
      %dma_start3A_430 = tpu.memref_squeeze %dma_start3A_429 : memref<1x640x64xf32, #tpu.memory_space<vmem>> -> memref<640x64xf32, #tpu.memory_space<vmem>>
      tpu.enqueue_dma source(%dma_start3A_430 : memref<640x64xf32, #tpu.memory_space<vmem>>) target(%dma_start3A_426 : memref<640x64xf32, #tpu.memory_space<hbm>>) target_semaphore(%run_scoped3A_418 : memref<!tpu.dma_semaphore, #tpu.memory_space<semaphore_mem>>)
      %dma_wait3A_431 = arith.constant 0 : i32
      %dma_wait3A_432 = arith.constant 0 : i32
      %dma_wait3A_433 = tpu.memref_slice %arg6[%run_scoped3A_314, %dma_wait3A_431, %dma_wait3A_432] : memref<2x640x64xf32, #tpu.memory_space<vmem>> -> memref<1x640x64xf32, #tpu.memory_space<vmem>>
      %dma_wait3A_434 = tpu.memref_squeeze %dma_wait3A_433 : memref<1x640x64xf32, #tpu.memory_space<vmem>> -> memref<640x64xf32, #tpu.memory_space<vmem>>
      %dma_wait3A_435 = arith.constant 0 : i32
      %dma_wait3A_436 = tpu.memref_slice %arg4[%add3A_313, %dma_wait3A_435] : memref<819200x128xf32, #tpu.memory_space<hbm>> -> memref<640x64xf32, #tpu.memory_space<hbm>>
      %dma_wait3A_437 = arith.constant 0 : i32
      %dma_wait3A_438 = tpu.memref_slice %arg4[%add3A_313, %dma_wait3A_437] : memref<819200x128xf32, #tpu.memory_space<hbm>> -> memref<640x64xf32, #tpu.memory_space<hbm>>
      %dma_wait3A_439 = arith.constant 0 : i32
      %dma_wait3A_440 = arith.constant 0 : i32
      %dma_wait3A_441 = tpu.memref_slice %arg6[%run_scoped3A_314, %dma_wait3A_439, %dma_wait3A_440] : memref<2x640x64xf32, #tpu.memory_space<vmem>> -> memref<1x640x64xf32, #tpu.memory_space<vmem>>
      %dma_wait3A_442 = tpu.memref_squeeze %dma_wait3A_441 : memref<1x640x64xf32, #tpu.memory_space<vmem>> -> memref<640x64xf32, #tpu.memory_space<vmem>>
      tpu.wait_dma2 semaphore(%run_scoped3A_418 : memref<!tpu.dma_semaphore, #tpu.memory_space<semaphore_mem>>) src(%dma_wait3A_442 : memref<640x64xf32, #tpu.memory_space<vmem>>) dst(%dma_wait3A_438 : memref<640x64xf32, #tpu.memory_space<hbm>>)
      tpu.yield
    }) : () -> ()
    %dma_wait3A_315 = arith.constant 1 : i32
    %dma_wait3A_316 = arith.constant 0 : i32
    %dma_wait3A_317 = arith.constant 1 : i32
    %dma_wait3A_318 = arith.constant 0 : i32
    %dma_wait3A_319 = arith.constant 0 : i32
    %dma_wait3A_320 = tpu.memref_slice %arg6[%dma_wait3A_317, %dma_wait3A_318, %dma_wait3A_319] : memref<2x640x64xf32, #tpu.memory_space<vmem>> -> memref<1x640x64xf32, #tpu.memory_space<vmem>>
    %dma_wait3A_321 = tpu.memref_squeeze %dma_wait3A_320 : memref<1x640x64xf32, #tpu.memory_space<vmem>> -> memref<640x64xf32, #tpu.memory_space<vmem>>
    %dma_wait3A_322 = arith.constant 0 : i32
    %dma_wait3A_323 = arith.constant 0 : i32
    %dma_wait3A_324 = tpu.memref_slice %dma_wait3A_321[%dma_wait3A_322, %dma_wait3A_323] : memref<640x64xf32, #tpu.memory_space<vmem>> -> memref<128x64xf32, #tpu.memory_space<vmem>>
    %dma_wait3A_325 = arith.constant 0 : i32
    %dma_wait3A_326 = arith.constant 0 : i32
    %dma_wait3A_327 = tpu.memref_slice %arg5[%dma_wait3A_315, %dma_wait3A_325, %dma_wait3A_326] : memref<2x5x128xi32, #tpu.memory_space<vmem>> -> memref<1x5x128xi32, #tpu.memory_space<vmem>>
    %dma_wait3A_328 = tpu.memref_squeeze %dma_wait3A_327 : memref<1x5x128xi32, #tpu.memory_space<vmem>> -> memref<5x128xi32, #tpu.memory_space<vmem>>
    %dma_wait3A_329 = arith.constant 0 : i32
    %dma_wait3A_330 = tpu.memref_slice %dma_wait3A_328[%dma_wait3A_316, %dma_wait3A_329] : memref<5x128xi32, #tpu.memory_space<vmem>> -> memref<1x128xi32, #tpu.memory_space<vmem>>
    %dma_wait3A_331 = tpu.memref_squeeze %dma_wait3A_330 : memref<1x128xi32, #tpu.memory_space<vmem>> -> memref<128xi32, #tpu.memory_space<vmem>>
    %dma_wait3A_332 = arith.constant 0 : i32
    %dma_wait3A_333 = arith.constant 0 : i32
    %dma_wait3A_334 = tpu.memref_slice %arg3[%dma_wait3A_332, %dma_wait3A_333] : memref<1000000x64xf32, #tpu.memory_space<hbm>> -> memref<1000000x64xf32, #tpu.memory_space<hbm>>
    tpu.wait_indirect_dma semaphore(%arg8 : memref<!tpu.dma_semaphore, #tpu.memory_space<semaphore_mem>>) src(%dma_wait3A_334 : memref<1000000x64xf32, #tpu.memory_space<hbm>>) dst(%dma_wait3A_324 : memref<128x64xf32, #tpu.memory_space<vmem>>)
    %dma_wait3A_335 = arith.constant 1 : i32
    %dma_wait3A_336 = arith.constant 1 : i32
    %dma_wait3A_337 = arith.constant 1 : i32
    %dma_wait3A_338 = arith.constant 0 : i32
    %dma_wait3A_339 = arith.constant 0 : i32
    %dma_wait3A_340 = tpu.memref_slice %arg6[%dma_wait3A_337, %dma_wait3A_338, %dma_wait3A_339] : memref<2x640x64xf32, #tpu.memory_space<vmem>> -> memref<1x640x64xf32, #tpu.memory_space<vmem>>
    %dma_wait3A_341 = tpu.memref_squeeze %dma_wait3A_340 : memref<1x640x64xf32, #tpu.memory_space<vmem>> -> memref<640x64xf32, #tpu.memory_space<vmem>>
    %dma_wait3A_342 = arith.constant 128 : i32
    %dma_wait3A_343 = arith.constant 0 : i32
    %dma_wait3A_344 = tpu.memref_slice %dma_wait3A_341[%dma_wait3A_342, %dma_wait3A_343] : memref<640x64xf32, #tpu.memory_space<vmem>> -> memref<128x64xf32, #tpu.memory_space<vmem>>
    %dma_wait3A_345 = arith.constant 0 : i32
    %dma_wait3A_346 = arith.constant 0 : i32
    %dma_wait3A_347 = tpu.memref_slice %arg5[%dma_wait3A_335, %dma_wait3A_345, %dma_wait3A_346] : memref<2x5x128xi32, #tpu.memory_space<vmem>> -> memref<1x5x128xi32, #tpu.memory_space<vmem>>
    %dma_wait3A_348 = tpu.memref_squeeze %dma_wait3A_347 : memref<1x5x128xi32, #tpu.memory_space<vmem>> -> memref<5x128xi32, #tpu.memory_space<vmem>>
    %dma_wait3A_349 = arith.constant 0 : i32
    %dma_wait3A_350 = tpu.memref_slice %dma_wait3A_348[%dma_wait3A_336, %dma_wait3A_349] : memref<5x128xi32, #tpu.memory_space<vmem>> -> memref<1x128xi32, #tpu.memory_space<vmem>>
    %dma_wait3A_351 = tpu.memref_squeeze %dma_wait3A_350 : memref<1x128xi32, #tpu.memory_space<vmem>> -> memref<128xi32, #tpu.memory_space<vmem>>
    %dma_wait3A_352 = arith.constant 0 : i32
    %dma_wait3A_353 = arith.constant 0 : i32
    %dma_wait3A_354 = tpu.memref_slice %arg3[%dma_wait3A_352, %dma_wait3A_353] : memref<1000000x64xf32, #tpu.memory_space<hbm>> -> memref<1000000x64xf32, #tpu.memory_space<hbm>>
    tpu.wait_indirect_dma semaphore(%arg8 : memref<!tpu.dma_semaphore, #tpu.memory_space<semaphore_mem>>) src(%dma_wait3A_354 : memref<1000000x64xf32, #tpu.memory_space<hbm>>) dst(%dma_wait3A_344 : memref<128x64xf32, #tpu.memory_space<vmem>>)
    %dma_wait3A_355 = arith.constant 1 : i32
    %dma_wait3A_356 = arith.constant 2 : i32
    %dma_wait3A_357 = arith.constant 1 : i32
    %dma_wait3A_358 = arith.constant 0 : i32
    %dma_wait3A_359 = arith.constant 0 : i32
    %dma_wait3A_360 = tpu.memref_slice %arg6[%dma_wait3A_357, %dma_wait3A_358, %dma_wait3A_359] : memref<2x640x64xf32, #tpu.memory_space<vmem>> -> memref<1x640x64xf32, #tpu.memory_space<vmem>>
    %dma_wait3A_361 = tpu.memref_squeeze %dma_wait3A_360 : memref<1x640x64xf32, #tpu.memory_space<vmem>> -> memref<640x64xf32, #tpu.memory_space<vmem>>
    %dma_wait3A_362 = arith.constant 256 : i32
    %dma_wait3A_363 = arith.constant 0 : i32
    %dma_wait3A_364 = tpu.memref_slice %dma_wait3A_361[%dma_wait3A_362, %dma_wait3A_363] : memref<640x64xf32, #tpu.memory_space<vmem>> -> memref<128x64xf32, #tpu.memory_space<vmem>>
    %dma_wait3A_365 = arith.constant 0 : i32
    %dma_wait3A_366 = arith.constant 0 : i32
    %dma_wait3A_367 = tpu.memref_slice %arg5[%dma_wait3A_355, %dma_wait3A_365, %dma_wait3A_366] : memref<2x5x128xi32, #tpu.memory_space<vmem>> -> memref<1x5x128xi32, #tpu.memory_space<vmem>>
    %dma_wait3A_368 = tpu.memref_squeeze %dma_wait3A_367 : memref<1x5x128xi32, #tpu.memory_space<vmem>> -> memref<5x128xi32, #tpu.memory_space<vmem>>
    %dma_wait3A_369 = arith.constant 0 : i32
    %dma_wait3A_370 = tpu.memref_slice %dma_wait3A_368[%dma_wait3A_356, %dma_wait3A_369] : memref<5x128xi32, #tpu.memory_space<vmem>> -> memref<1x128xi32, #tpu.memory_space<vmem>>
    %dma_wait3A_371 = tpu.memref_squeeze %dma_wait3A_370 : memref<1x128xi32, #tpu.memory_space<vmem>> -> memref<128xi32, #tpu.memory_space<vmem>>
    %dma_wait3A_372 = arith.constant 0 : i32
    %dma_wait3A_373 = arith.constant 0 : i32
    %dma_wait3A_374 = tpu.memref_slice %arg3[%dma_wait3A_372, %dma_wait3A_373] : memref<1000000x64xf32, #tpu.memory_space<hbm>> -> memref<1000000x64xf32, #tpu.memory_space<hbm>>
    tpu.wait_indirect_dma semaphore(%arg8 : memref<!tpu.dma_semaphore, #tpu.memory_space<semaphore_mem>>) src(%dma_wait3A_374 : memref<1000000x64xf32, #tpu.memory_space<hbm>>) dst(%dma_wait3A_364 : memref<128x64xf32, #tpu.memory_space<vmem>>)
    %dma_wait3A_375 = arith.constant 1 : i32
    %dma_wait3A_376 = arith.constant 3 : i32
    %dma_wait3A_377 = arith.constant 1 : i32
    %dma_wait3A_378 = arith.constant 0 : i32
    %dma_wait3A_379 = arith.constant 0 : i32
    %dma_wait3A_380 = tpu.memref_slice %arg6[%dma_wait3A_377, %dma_wait3A_378, %dma_wait3A_379] : memref<2x640x64xf32, #tpu.memory_space<vmem>> -> memref<1x640x64xf32, #tpu.memory_space<vmem>>
    %dma_wait3A_381 = tpu.memref_squeeze %dma_wait3A_380 : memref<1x640x64xf32, #tpu.memory_space<vmem>> -> memref<640x64xf32, #tpu.memory_space<vmem>>
    %dma_wait3A_382 = arith.constant 384 : i32
    %dma_wait3A_383 = arith.constant 0 : i32
    %dma_wait3A_384 = tpu.memref_slice %dma_wait3A_381[%dma_wait3A_382, %dma_wait3A_383] : memref<640x64xf32, #tpu.memory_space<vmem>> -> memref<128x64xf32, #tpu.memory_space<vmem>>
    %dma_wait3A_385 = arith.constant 0 : i32
    %dma_wait3A_386 = arith.constant 0 : i32
    %dma_wait3A_387 = tpu.memref_slice %arg5[%dma_wait3A_375, %dma_wait3A_385, %dma_wait3A_386] : memref<2x5x128xi32, #tpu.memory_space<vmem>> -> memref<1x5x128xi32, #tpu.memory_space<vmem>>
    %dma_wait3A_388 = tpu.memref_squeeze %dma_wait3A_387 : memref<1x5x128xi32, #tpu.memory_space<vmem>> -> memref<5x128xi32, #tpu.memory_space<vmem>>
    %dma_wait3A_389 = arith.constant 0 : i32
    %dma_wait3A_390 = tpu.memref_slice %dma_wait3A_388[%dma_wait3A_376, %dma_wait3A_389] : memref<5x128xi32, #tpu.memory_space<vmem>> -> memref<1x128xi32, #tpu.memory_space<vmem>>
    %dma_wait3A_391 = tpu.memref_squeeze %dma_wait3A_390 : memref<1x128xi32, #tpu.memory_space<vmem>> -> memref<128xi32, #tpu.memory_space<vmem>>
    %dma_wait3A_392 = arith.constant 0 : i32
    %dma_wait3A_393 = arith.constant 0 : i32
    %dma_wait3A_394 = tpu.memref_slice %arg3[%dma_wait3A_392, %dma_wait3A_393] : memref<1000000x64xf32, #tpu.memory_space<hbm>> -> memref<1000000x64xf32, #tpu.memory_space<hbm>>
    tpu.wait_indirect_dma semaphore(%arg8 : memref<!tpu.dma_semaphore, #tpu.memory_space<semaphore_mem>>) src(%dma_wait3A_394 : memref<1000000x64xf32, #tpu.memory_space<hbm>>) dst(%dma_wait3A_384 : memref<128x64xf32, #tpu.memory_space<vmem>>)
    %dma_wait3A_395 = arith.constant 1 : i32
    %dma_wait3A_396 = arith.constant 4 : i32
    %dma_wait3A_397 = arith.constant 1 : i32
    %dma_wait3A_398 = arith.constant 0 : i32
    %dma_wait3A_399 = arith.constant 0 : i32
    %dma_wait3A_400 = tpu.memref_slice %arg6[%dma_wait3A_397, %dma_wait3A_398, %dma_wait3A_399] : memref<2x640x64xf32, #tpu.memory_space<vmem>> -> memref<1x640x64xf32, #tpu.memory_space<vmem>>
    %dma_wait3A_401 = tpu.memref_squeeze %dma_wait3A_400 : memref<1x640x64xf32, #tpu.memory_space<vmem>> -> memref<640x64xf32, #tpu.memory_space<vmem>>
    %dma_wait3A_402 = arith.constant 512 : i32
    %dma_wait3A_403 = arith.constant 0 : i32
    %dma_wait3A_404 = tpu.memref_slice %dma_wait3A_401[%dma_wait3A_402, %dma_wait3A_403] : memref<640x64xf32, #tpu.memory_space<vmem>> -> memref<128x64xf32, #tpu.memory_space<vmem>>
    %dma_wait3A_405 = arith.constant 0 : i32
    %dma_wait3A_406 = arith.constant 0 : i32
    %dma_wait3A_407 = tpu.memref_slice %arg5[%dma_wait3A_395, %dma_wait3A_405, %dma_wait3A_406] : memref<2x5x128xi32, #tpu.memory_space<vmem>> -> memref<1x5x128xi32, #tpu.memory_space<vmem>>
    %dma_wait3A_408 = tpu.memref_squeeze %dma_wait3A_407 : memref<1x5x128xi32, #tpu.memory_space<vmem>> -> memref<5x128xi32, #tpu.memory_space<vmem>>
    %dma_wait3A_409 = arith.constant 0 : i32
    %dma_wait3A_410 = tpu.memref_slice %dma_wait3A_408[%dma_wait3A_396, %dma_wait3A_409] : memref<5x128xi32, #tpu.memory_space<vmem>> -> memref<1x128xi32, #tpu.memory_space<vmem>>
    %dma_wait3A_411 = tpu.memref_squeeze %dma_wait3A_410 : memref<1x128xi32, #tpu.memory_space<vmem>> -> memref<128xi32, #tpu.memory_space<vmem>>
    %dma_wait3A_412 = arith.constant 0 : i32
    %dma_wait3A_413 = arith.constant 0 : i32
    %dma_wait3A_414 = tpu.memref_slice %arg3[%dma_wait3A_412, %dma_wait3A_413] : memref<1000000x64xf32, #tpu.memory_space<hbm>> -> memref<1000000x64xf32, #tpu.memory_space<hbm>>
    tpu.wait_indirect_dma semaphore(%arg8 : memref<!tpu.dma_semaphore, #tpu.memory_space<semaphore_mem>>) src(%dma_wait3A_414 : memref<1000000x64xf32, #tpu.memory_space<hbm>>) dst(%dma_wait3A_404 : memref<128x64xf32, #tpu.memory_space<vmem>>)
    %add3A_415 = arith.constant 24960 : i32
    %add3A_416 = arith.addi %mul3A_4, %add3A_415 : i32
    %run_scoped3A_417 = arith.constant 1 : i32
    "tpu.region"() ({
      %run_scoped3A_418 = tpu.sem_alloc : memref<!tpu.dma_semaphore, #tpu.memory_space<semaphore_mem>>
      %dma_start3A_419 = arith.constant 0 : i32
      %dma_start3A_420 = arith.constant 0 : i32
      %dma_start3A_421 = tpu.memref_slice %arg6[%run_scoped3A_417, %dma_start3A_419, %dma_start3A_420] : memref<2x640x64xf32, #tpu.memory_space<vmem>> -> memref<1x640x64xf32, #tpu.memory_space<vmem>>
      %dma_start3A_422 = tpu.memref_squeeze %dma_start3A_421 : memref<1x640x64xf32, #tpu.memory_space<vmem>> -> memref<640x64xf32, #tpu.memory_space<vmem>>
      %dma_start3A_423 = arith.constant 0 : i32
      %dma_start3A_424 = tpu.memref_slice %arg4[%add3A_416, %dma_start3A_423] : memref<819200x128xf32, #tpu.memory_space<hbm>> -> memref<640x64xf32, #tpu.memory_space<hbm>>
      %dma_start3A_425 = arith.constant 0 : i32
      %dma_start3A_426 = tpu.memref_slice %arg4[%add3A_416, %dma_start3A_425] : memref<819200x128xf32, #tpu.memory_space<hbm>> -> memref<640x64xf32, #tpu.memory_space<hbm>>
      %dma_start3A_427 = arith.constant 0 : i32
      %dma_start3A_428 = arith.constant 0 : i32
      %dma_start3A_429 = tpu.memref_slice %arg6[%run_scoped3A_417, %dma_start3A_427, %dma_start3A_428] : memref<2x640x64xf32, #tpu.memory_space<vmem>> -> memref<1x640x64xf32, #tpu.memory_space<vmem>>
      %dma_start3A_430 = tpu.memref_squeeze %dma_start3A_429 : memref<1x640x64xf32, #tpu.memory_space<vmem>> -> memref<640x64xf32, #tpu.memory_space<vmem>>
      tpu.enqueue_dma source(%dma_start3A_430 : memref<640x64xf32, #tpu.memory_space<vmem>>) target(%dma_start3A_426 : memref<640x64xf32, #tpu.memory_space<hbm>>) target_semaphore(%run_scoped3A_418 : memref<!tpu.dma_semaphore, #tpu.memory_space<semaphore_mem>>)
      %dma_wait3A_431 = arith.constant 0 : i32
      %dma_wait3A_432 = arith.constant 0 : i32
      %dma_wait3A_433 = tpu.memref_slice %arg6[%run_scoped3A_417, %dma_wait3A_431, %dma_wait3A_432] : memref<2x640x64xf32, #tpu.memory_space<vmem>> -> memref<1x640x64xf32, #tpu.memory_space<vmem>>
      %dma_wait3A_434 = tpu.memref_squeeze %dma_wait3A_433 : memref<1x640x64xf32, #tpu.memory_space<vmem>> -> memref<640x64xf32, #tpu.memory_space<vmem>>
      %dma_wait3A_435 = arith.constant 0 : i32
      %dma_wait3A_436 = tpu.memref_slice %arg4[%add3A_416, %dma_wait3A_435] : memref<819200x128xf32, #tpu.memory_space<hbm>> -> memref<640x64xf32, #tpu.memory_space<hbm>>
      %dma_wait3A_437 = arith.constant 0 : i32
      %dma_wait3A_438 = tpu.memref_slice %arg4[%add3A_416, %dma_wait3A_437] : memref<819200x128xf32, #tpu.memory_space<hbm>> -> memref<640x64xf32, #tpu.memory_space<hbm>>
      %dma_wait3A_439 = arith.constant 0 : i32
      %dma_wait3A_440 = arith.constant 0 : i32
      %dma_wait3A_441 = tpu.memref_slice %arg6[%run_scoped3A_417, %dma_wait3A_439, %dma_wait3A_440] : memref<2x640x64xf32, #tpu.memory_space<vmem>> -> memref<1x640x64xf32, #tpu.memory_space<vmem>>
      %dma_wait3A_442 = tpu.memref_squeeze %dma_wait3A_441 : memref<1x640x64xf32, #tpu.memory_space<vmem>> -> memref<640x64xf32, #tpu.memory_space<vmem>>
      tpu.wait_dma2 semaphore(%run_scoped3A_418 : memref<!tpu.dma_semaphore, #tpu.memory_space<semaphore_mem>>) src(%dma_wait3A_442 : memref<640x64xf32, #tpu.memory_space<vmem>>) dst(%dma_wait3A_438 : memref<640x64xf32, #tpu.memory_space<hbm>>)
      tpu.yield
    }) : () -> ()
    return
  }
}

</mosaic_0001>

<sc_bundles>
// kernel: kernel.3.cloned.1.call-start
scs
__scs_entry_jumppad:
0x0: {  	(pc) =	sbr.rel $0x88, $3  }
0x1: {  	(tag) =	ssettag $0x0;
	lr =	simm.s32 $0x1  }
0x2: {  	[smem:$0x3F9F] =	sst lr;
	_ =	strace $0xD0000000  }
0x3: {  	_ = 	snop  }
0x4: {  	_ = 	snop  }
0x5: {  	_ = 	snop  }
0x6: {  	_ = 	snop  }
0x7: {  	_ = 	snop  }
__scs_overlays_trampoline_lowered:
0x8: {  	[smem:$0x3FAE] =	sst s0  }
0x9: {  	[smem:$0x3FAF] =	sst s1  }
0xa: {  	[smem:$0x3FB0] =	sst s2  }
0xb: {  	[smem:$0x3FB1] =	sst s3  }
0xc: {  	[smem:$0x3FB2] =	sst s4  }
0xd: {  	[smem:$0x3FB3] =	sst s5  }
0xe: {  	[smem:$0x3FB4] =	sst s6  }
0xf: {  	[smem:$0x3FB5] =	sst s7  }
0x10: {  	[smem:$0x3FB6] =	sst s8  }
0x11: {  	[smem:$0x3FB7] =	sst s9;
	s0 =	simm.s32 @!p0 $0x0  }
0x12: {  	s1 =	sld [smem:$0x3F9D];
	s0 =	simm.s32 @p0 $0x1  }
0x13: {  	[smem:$0x3FB8] =	sst s0;
	s0 =	simm.s32 @!p1 $0x0  }
0x14: {  	s2 =	sld [smem:$0x3F9C];
	s0 =	simm.s32 @p1 $0x1  }
0x15: {  	[smem:$0x3FB9] =	sst s0;
	s0 =	simm.s32 @!p2 $0x0  }
0x16: {  	s3 =	sld [smem:$0x3FDB];
	s0 =	simm.s32 @p2 $0x1  }
0x17: {  	s4 =	simm.s32 $0x1BF5;
	[smem:$0x3FBB] =	sst s0  }
0x18: {  	s0 =	sld [smem:$0x3F9E];
	_ =	swait.ge [sflag:s4], $0x0  }
0x19: {  	s7 =	sld [smem:$0x3F9F]  }
0x1a: {  	s8 =	sadd.s32 $0xFFFFE003, lr  }
0x1b: {  	s9 =	sadd.s32 $0xFFFFFEF7, lr;
	s5 =	simm.s32 $0xFFFFFFFF;
	p2 =	slt.u32 s8, $0xFFFFF086  }
0x1c: {  	p1 =	slt.u32 s9, $0xF7A;
	s5 =	simm.s32 @!p2 $0x0  }
0x1d: {  	s5 =	simm.s32 @p1 $0x1;
	p0 =	seq.s32 s7, s2  }
0x1e: {  	s7 =	smul.u32 @!p0 $0xF7A, s2;
	p2 =	seq.s32 @!p0 s5, $0x0  }
0x1f: {  	s9 =	smul.u32 $0xF7A, s1;
	s8 =	simm.s32 @!p0 $0x1BF5;
	p2 =	por !p2, p0  }
0x20: {  	[sflag:s8] =	ssyncset.s32 @!p0 $0xFFFFF086;
	s6 =	sadd.s32 @!p0 s3, s7;
	s7 =	simm.s32 @!p0 $0x108  }
0x21: {  	s3 =	sadd.s32 s3, s9;
	s6 =	sadd.s32 @!p0 $0x88, s6;
	s7 =	simm.s32 @p2 $0x1082  }
0x22: {  	[simem:s7], [sflag:s8] =	dma.local @!p0 [hbm:s6], $0xF7A  }
0x23: {  	s9 =	sor.u32 $0xD0000000, s2;
	s6 =	simm.s32 $0x108;
	_ =	swait.ge @!p0 [sflag:s8], $0x0  }
0x24: {  	s3 =	sadd.s32 $0x88, s3;
	s6 =	simm.s32 @!p1 $0x1082;
	[sflag:s4] =	ssyncset.s32 $0xFFFFF086  }
0x25: {  	[simem:s6], [sflag:s4] =	dma.local [hbm:s3], $0xF7A  }
0x26: {  	[smem:$0x3F9F] =	sst s1;
	(tag) =	ssettag s2;
	_ =	strace s9  }
0x27: {  	s1 =	sld [smem:$0x3FAF]  }
0x28: {  	s2 =	sld [smem:$0x3FB0]  }
0x29: {  	s4 =	sld [smem:$0x3FB2]  }
0x2a: {  	p0 =	seq.s32 s5, $0x0;
	s5 =	sld [smem:$0x3FB3]  }
0x2b: {  	s6 =	sld [smem:$0x3FB4]  }
0x2c: {  	s7 =	sld [smem:$0x3FB5]  }
0x2d: {  	s3 =	simm.s32 $0x108;
	s8 =	sld [smem:$0x3FB6]  }
0x2e: {  	s3 =	simm.s32 @!p0 $0x1082;
	s9 =	sld [smem:$0x3FB7]  }
0x2f: {  	lr =	sadd.s32 s0, s3;
	s0 =	sld [smem:$0x3FAE]  }
0x30: {  	s3 =	sld [smem:$0x3FB1]  }
0x31: {  	[smem:$0x3FBA] =	sst s10  }
0x32: {  	s10 =	sld [smem:$0x3FB8];
	_ =	sdelay $0x3  }
0x33: {  	p0 =	seq.s32 s10, $0x1;
	s10 =	sld [smem:$0x3FBA];
	_ =	sdelay $0x3  }
0x34: {  	[smem:$0x3FBA] =	sst s10  }
0x35: {  	s10 =	sld [smem:$0x3FB9];
	_ =	sdelay $0x3  }
0x36: {  	p1 =	seq.s32 s10, $0x1;
	s10 =	sld [smem:$0x3FBA];
	_ =	sdelay $0x3  }
0x37: {  	[smem:$0x3FBA] =	sst s10  }
0x38: {  	s10 =	sld [smem:$0x3FBB]  }
0x39: {  	_ = 	snop;
	(pc) =	sbr.ind lr, $3  }
0x3a: {  	_ = 	snop  }
0x3b: {  	_ = 	snop  }
0x3c: {  	p2 =	seq.s32 s10, $0x1;
	s10 =	sld [smem:$0x3FBA]  }
0x3d: {  	_ =	shalt  }
0x3e: {  	_ =	shalt  }
0x3f: {  	_ =	shalt  }
0x40: {  	_ =	shalt  }
0x41: {  	_ =	shalt  }
0x42: {  	_ =	shalt  }
0x43: {  	_ =	shalt  }
0x44: {  	_ =	shalt  }
0x45: {  	_ =	shalt  }
0x46: {  	_ =	shalt  }
0x47: {  	_ =	shalt  }
0x48: {  	_ =	shalt  }
0x49: {  	_ =	shalt  }
0x4a: {  	_ =	shalt  }
0x4b: {  	_ =	shalt  }
0x4c: {  	_ =	shalt  }
0x4d: {  	_ =	shalt  }
0x4e: {  	_ =	shalt  }
0x4f: {  	_ =	shalt  }
0x50: {  	_ =	shalt  }
0x51: {  	_ =	shalt  }
0x52: {  	_ =	shalt  }
0x53: {  	_ =	shalt  }
0x54: {  	_ =	shalt  }
0x55: {  	_ =	shalt  }
0x56: {  	_ =	shalt  }
0x57: {  	_ =	shalt  }
0x58: {  	_ =	shalt  }
0x59: {  	_ =	shalt  }
0x5a: {  	_ =	shalt  }
0x5b: {  	_ =	shalt  }
0x5c: {  	_ =	shalt  }
0x5d: {  	_ =	shalt  }
0x5e: {  	_ =	shalt  }
0x5f: {  	_ =	shalt  }
0x60: {  	_ =	shalt  }
0x61: {  	_ =	shalt  }
0x62: {  	_ =	shalt  }
0x63: {  	_ =	shalt  }
0x64: {  	_ =	shalt  }
0x65: {  	_ =	shalt  }
0x66: {  	_ =	shalt  }
0x67: {  	_ =	shalt  }
0x68: {  	_ =	shalt  }
0x69: {  	_ =	shalt  }
0x6a: {  	_ =	shalt  }
0x6b: {  	_ =	shalt  }
0x6c: {  	_ =	shalt  }
0x6d: {  	_ =	shalt  }
0x6e: {  	_ =	shalt  }
0x6f: {  	_ =	shalt  }
0x70: {  	_ =	shalt  }
0x71: {  	_ =	shalt  }
0x72: {  	_ =	shalt  }
0x73: {  	_ =	shalt  }
0x74: {  	_ =	shalt  }
0x75: {  	_ =	shalt  }
0x76: {  	_ =	shalt  }
0x77: {  	_ =	shalt  }
0x78: {  	_ =	shalt  }
0x79: {  	_ =	shalt  }
0x7a: {  	_ =	shalt  }
0x7b: {  	_ =	shalt  }
0x7c: {  	_ =	shalt  }
0x7d: {  	_ =	shalt  }
0x7e: {  	_ =	shalt  }
0x7f: {  	_ =	shalt  }
0x80: {  	_ =	shalt  }
0x81: {  	_ =	shalt  }
0x82: {  	_ =	shalt  }
0x83: {  	_ =	shalt  }
0x84: {  	_ =	shalt  }
0x85: {  	_ =	shalt  }
0x86: {  	_ =	shalt  }
0x87: {  	_ =	shalt  }
.Lfunc_end0:
.L_simem_size_0:
called_computation.1_lowered:
.L_overlay_start_0:
0x88: {  	s2 =	sld [smem:$0x3FD9]  }
0x89: {  	s3 =	sld [smem:$0x3FFE];
	_ =	sdelay $0x1  }
0x8a: {  	s1 =	srdreg.scid  }
0x8b: {  	s0 =	sand.u32 $0x1, s1  }
0x8c: {  	s17 =	sshll.u32 s0, $0xA;
	s2 =	sadd.s32 s3, s2  }
0x8d: {  	s2 =	sadd.s32 s2, s17  }
0x8e: {  	[smem:$0x3FC6] =	sst s2  }
0x8f: {  	_ = 	snop  }
0x90: {  	s2 =	sld [smem:$0x3FD0];
	(tm) =	ssettm $0x1  }
0x91: {  	s18 =	sld [smem:$0x3FFB];
	_ =	sdelay $0x3  }
0x92: {  	_ =	strace s18  }
0x93: {  	s3 =	sld [smem:$0x3FFC];
	_ =	sdelay $0x3  }
0x94: {  	_ =	strace s3  }
0x95: {  	s3 =	sld [smem:$0x3FFD];
	_ =	sdelay $0x3  }
0x96: {  	_ =	strace s3  }
0x97: {  	_ =	strace $0x8FFFFFFF  }
0x98: {  	s19 =	sld [smem:$0x3FDB];
	_ =	sdelay $0x1  }
0x99: {  	s4 =	simm.s32 $_scs_section_size  }
0x9a: {  	s5 =	simm.s32 $_size__tile_overlayer_lowered;
	s6 =	simm.s32 $_tile_overlayer_lowered  }
0x9b: {  	s22 =	simm.s32 $0x1BFF;
	s21 =	sshll.u32 s6, $0x1;
	s3 =	sadd.s32 s4, s19  }
0x9c: {  	s7 =	simm.s32 $0x0;
	s20 =	sshll.u32 s5, $0x1;
	s5 =	sadd.s32 s21, s3  }
0x9d: {  	[timem:s7], [sflag:s22] =	dma.local [hbm:s5], s20  }
0x9e: {  	_ =	swait.ge [sflag:s22], s20  }
0x9f: {  	s4 =	ssub.s32 $0x0, s20;
	[sflag:s22] =	ssyncset.done $0x0  }
0xa0: {  	[sflag:s22] =	ssyncadd.s32 s4;
	_ =	sdelay $0x1  }
0xa1: {  	s23 =	simm.s32 $0x1B8B  }
0xa2: {  	_ =	swait.ge [sflag:s23], $0x1  }
0xa3: {  	[sflag:s23] =	ssyncset.done $0x0  }
0xa4: {  	s25 =	simm.s32 $0x1B8E;
	s24 =	sld [smem:$0x3FFE];
	[sflag:s23] =	ssyncadd.s32 $0xFFFFFFFF  }
0xa5: {  	s26 =	simm.s32 $execute0_lowered;
	[smem:$0x3FD2] =	sst s25  }
0xa6: {  	s5 =	sshll.u32 s26, $0x1;
	_ =	strace $0x80000046;
	[dreg:$0x1] =	wrdreg $0xFFFFFFFF  }
0xa7: {  	s28 =	simm.s32 $_size_execute0_lowered;
	s3 =	sadd.s32 s3, s5;
	[dreg:$0x0] =	wrdreg $0x0  }
0xa8: {  	s5 =	sshll.u32 s28, $0x1;
	[dreg:$0x2] =	wrdreg s3  }
0xa9: {  	[dreg:$0x3] =	wrdreg s5  }
0xaa: {  	[dreg:$0x4] =	wrdreg $0xC0  }
0xab: {  	_ =	task [dreg:s7], $0x5FFFF  }
0xac: {  	[dreg:$0x1] =	wrdreg $0xFFFFFFFF  }
0xad: {  	[dreg:$0x0] =	wrdreg $0x60  }
0xae: {  	[dreg:$0x2] =	wrdreg s2  }
0xaf: {  	[dreg:$0x3] =	wrdreg s24  }
0xb0: {  	[dreg:$0x4] =	wrdreg $0x9  }
0xb1: {  	_ =	task.clear_ibuf [dreg:s7], $0x5FFFF;
	_ =	strace $0x90000046  }
0xb2: {  	s29 =	simm.s32 $0x9;
	_ =	strace $0x80000048  }
0xb3: {  	_ =	swait.ge [sflag:s29], $0x1  }
0xb4: {  	[sflag:s29] =	ssyncadd.s32 $0xFFFFFFFF  }
0xb5: {  	_ =	strace $0x90000048  }
0xb6: {  	_ =	sfence  }
0xb7: {  	s30 =	sld [smem:$0x0];
	_ =	sdelay $0x2  }
0xb8: {  	s31 =	sshll.u32 s1, $0xD;
	s1 =	sshrl.u32 s1, $0x2  }
0xb9: {  	s3 =	sand.u32 $0x4000, s31;
	s1 =	sadd.s32 s1, s30  }
0xba: {  	s0 =	sor.u32 s3, s0;
	s1 =	sshll.u32 s1, $0x11  }
0xbb: {  	s0 =	sor.u32 s1, s0  }
0xbc: {  	s0 =	sadd.s32 $0x8F2B, s0  }
0xbd: {  	[sflag:s0] =	ssyncadd.remote.s32 $0x1  }
0xbe: {  	_ =	sfence.sel $0xFFFF  }
0xbf: {  	[dreg:$0x0] =	wrdreg $0xFFFFFFFF;
	(pc) =	sbr.abs _section_cstart, $3  }
0xc0: {  	[dreg:$0x1] =	wrdreg $0xFFFFFFFF  }
0xc1: {  	_ =	task.clear_ibuf [dreg:s7], $0x2FFFF;
	_ =	strace $0x9FFFFFFF  }
0xc2: {  	(tm) =	ssettm $0x7FFFFFFF  }
0xc3: {  	_ =	shalt  }
tec
execute0_lowered:
.L_overlay_start_1:
0x0: {  	(tag) =	ssettag $0x1  }
0x1: {  	s0 =	rddreg [dreg:$0x0]  }
0x2: {  	s1 =	rddreg [dreg:$0x1]  }
0x3: {  	s3 =	srdreg.scid;
	s10 =	stileid.u32;
	s2 =	simm.s32 $0x0  }
0x4: {  	s12 =	simm.s32 $0x80;
	s13 =	simm.s32 $0x500;
	s8 =	smul.u32 $0x190, s10  }
0x5: {  	s28 =	simm.s32 $0x400;
	s29 =	simm.s32 $0x10500;
	s17 =	smul.u32 $0xC800, s10  }
0x6: {  	s30 =	simm.s32 $0x480;
	s4 =	sand.u32 $0x1, s3;
	s23 =	smul.u32 $0xC8000, s10  }
0x7: {  	s31 =	simm.s32 $0x12500;
	s14 =	sshll.u32 s10, $0x1;
	s15 =	smul.u32 $0xC8, s4  }
0x8: {  	[smem:$0x7FF] =	sst s2;
	s3 =	sadd.s32 $0xF42E00, s1;
	s19 =	smul.u32 $0x6400, s4  }
0x9: {  	s5 =	sor.u32 s4, s14;
	s7 =	ssub.s32 $0x2, s4;
	s4 =	smul.u32 $0x64000, s4  }
0xa: {  	s1 =	sadd.s32 $0xA00, s1;
	_ =	strace $0x80000047;
	s6 =	smul.u32 $0xC80, s5  }
0xb: {  	s14 =	simm.s32 $0x2500;
	s5 =	smul.u32 $0x320000, s5;
	s9 =	sshrl.u32 s7, $0x1  }
0xc: {  	s7 =	ssub.s32 s7, s9;
	s22 =	sadd.s32 s19, s17;
	s17 =	simm.s32 $0x180  }
0xd: {  	s19 =	simm.s32 $0x200;
	s11 =	sadd.s32 s0, s6;
	s5 =	sshrl.u32 s5, $0x3  }
0xe: {  	s6 =	sadd.s32 s15, s8;
	s20 =	smax.u32 s7, $0x1;
	s24 =	sshll.u32 s22, $0x4  }
0xf: {  	s15 =	simm.s32 $0x100;
	s22 =	simm.s32 $0xA500;
	[dreg:$0x5] =	wrdreg s11  }
0x10: {  	s16 =	sadd.s32 $0x50, s11;
	s5 =	sadd.s32 s1, s5;
	s6 =	sshll.u32 s6, $0x4  }
0x11: {  	[dreg:$0x9] =	wrdreg s20;
	s11 =	simm.s32 $0x3;
	s20 =	simm.s32 $0x8500  }
0x12: {  	[dreg:$0x6] =	wrdreg s16;
	s18 =	sadd.s32 $0x5F000, s5;
	s5 =	sadd.s32 $0x61800, s5  }
0x13: {  	s0 =	sadd.s32 s0, s6;
	s16 =	simm.s32 $0x4500;
	[dreg:$0x7] =	wrdreg s18  }
0x14: {  	s6 =	simm.s32 $0x0;
	[dreg:$0x8] =	wrdreg s5;
	s21 =	sadd.s32 $0xF0, s0  }
0x15: {  	s0 =	sadd.s32 $0xA0, s0;
	s5 =	sadd.s32 s24, s1;
	s1 =	sadd.s32 s23, s1  }
0x16: {  	s18 =	simm.s32 $0x6500;
	s23 =	simm.s32 $0x300;
	[dreg:$0x3] =	wrdreg s21  }
0x17: {  	s24 =	simm.s32 $0xC500;
	[dreg:$0x4] =	wrdreg s0;
	s25 =	sadd.s32 $0x2800, s5  }
0x18: {  	s26 =	sadd.s32 s4, s1;
	s21 =	simm.s32 $0x280;
	s0 =	simm.s32 $0x1  }
0x19: {  	s1 =	simm.s32 $0x40;
	s5 =	simm.s32 $0x2;
	[dreg:$0xa] =	wrdreg s25  }
0x1a: {  	[dreg:$0xb] =	wrdreg s26;
	s25 =	simm.s32 $0x380;
	s26 =	simm.s32 $0xE500  }
.LBB2_1:
0x1b: {  	s4 =	rddreg [dreg:$0x5]  }
0x1c: {  	[tilespmem:s2], [sflag:$0x3] =	stream.linear.gather [hbm4b:s4+s2], $0x280, $0x38;
	[tilespmem:$0x14500] =	vst v63  }
0x1d: {  	_ =	swait.ge [sflag:s11], $0x280  }
0x1e: {  	[sflag:s11] =	ssyncset.done $0x0  }
0x1f: {  	[sflag:s11] =	ssyncadd.s32 $0xFFFFFD80  }
0x20: {  	[tilespmem:s13], [sflag:$0x1] =	stream.indirect.gather [hbm4b:s3+s12], $0x40, s2, s12, $0xb8;
	[tilespmem:$0x14500] =	vst v63  }
0x21: {  	_ = 	snop  }
0x22: {  	[tilespmem:s14], [sflag:$0x1] =	stream.indirect.gather [hbm4b:s3+s12], $0x40, s12, s12, $0xb8;
	[tilespmem:$0x14500] =	vst v63  }
0x23: {  	_ = 	snop  }
0x24: {  	[tilespmem:s16], [sflag:$0x1] =	stream.indirect.gather [hbm4b:s3+s12], $0x40, s15, s12, $0xb8;
	[tilespmem:$0x14500] =	vst v63  }
0x25: {  	_ = 	snop  }
0x26: {  	[tilespmem:s18], [sflag:$0x1] =	stream.indirect.gather [hbm4b:s3+s12], $0x40, s17, s12, $0xb8;
	[tilespmem:$0x14500] =	vst v63  }
0x27: {  	_ = 	snop  }
0x28: {  	[tilespmem:s20], [sflag:$0x1] =	stream.indirect.gather [hbm4b:s3+s12], $0x40, s19, s12, $0xb8;
	[tilespmem:$0x14500] =	vst v63  }
0x29: {  	s8 =	rddreg [dreg:$0x6]  }
0x2a: {  	[tilespmem:s21], [sflag:$0x3] =	stream.linear.gather [hbm4b:s8+s2], $0x280, $0x38;
	[tilespmem:$0x14500] =	vst v63  }
0x2b: {  	_ =	swait.ge [sflag:s11], $0x280  }
0x2c: {  	[sflag:s11] =	ssyncset.done $0x0  }
0x2d: {  	[sflag:s11] =	ssyncadd.s32 $0xFFFFFD80  }
0x2e: {  	[tilespmem:s22], [sflag:$0x2] =	stream.indirect.gather [hbm4b:s3+s12], $0x40, s21, s12, $0xb8;
	[tilespmem:$0x14500] =	vst v63  }
0x2f: {  	_ = 	snop  }
0x30: {  	[tilespmem:s24], [sflag:$0x2] =	stream.indirect.gather [hbm4b:s3+s12], $0x40, s23, s12, $0xb8;
	[tilespmem:$0x14500] =	vst v63  }
0x31: {  	_ = 	snop  }
0x32: {  	[tilespmem:s26], [sflag:$0x2] =	stream.indirect.gather [hbm4b:s3+s12], $0x40, s25, s12, $0xb8;
	[tilespmem:$0x14500] =	vst v63  }
0x33: {  	_ = 	snop  }
0x34: {  	[tilespmem:s29], [sflag:$0x2] =	stream.indirect.gather [hbm4b:s3+s12], $0x40, s28, s12, $0xb8;
	[tilespmem:$0x14500] =	vst v63  }
0x35: {  	_ = 	snop  }
0x36: {  	[tilespmem:s31], [sflag:$0x2] =	stream.indirect.gather [hbm4b:s3+s12], $0x40, s30, s12, $0xb8;
	[tilespmem:$0x14500] =	vst v63  }
0x37: {  	_ =	swait.ge [sflag:s0], $0x2000  }
0x38: {  	[sflag:s0] =	ssyncset.done $0x0  }
0x39: {  	[sflag:s0] =	ssyncadd.s32 $0xFFFFE000  }
0x3a: {  	_ =	swait.ge [sflag:s0], $0x2000  }
0x3b: {  	[sflag:s0] =	ssyncset.done $0x0  }
0x3c: {  	[sflag:s0] =	ssyncadd.s32 $0xFFFFE000  }
0x3d: {  	_ =	swait.ge [sflag:s0], $0x2000  }
0x3e: {  	[sflag:s0] =	ssyncset.done $0x0  }
0x3f: {  	[sflag:s0] =	ssyncadd.s32 $0xFFFFE000  }
0x40: {  	_ =	swait.ge [sflag:s0], $0x2000  }
0x41: {  	[sflag:s0] =	ssyncset.done $0x0  }
0x42: {  	[sflag:s0] =	ssyncadd.s32 $0xFFFFE000  }
0x43: {  	_ =	swait.ge [sflag:s0], $0x2000  }
0x44: {  	[sflag:s0] =	ssyncset.done $0x0  }
0x45: {  	s8 =	rddreg [dreg:$0xb];
	[sflag:s0] =	ssyncadd.s32 $0xFFFFE000  }
0x46: {  	[hbm4b:s8+s1] =	stream.strided.scatter [tilespmem:s13], [sflag:$0x3], $0xA000, s12, s1, $0x38;
	[tilespmem:$0x14500] =	vst v63  }
0x47: {  	_ =	swait.ge [sflag:s11], $0xA000  }
0x48: {  	s9 =	rddreg [dreg:$0x4];
	[sflag:s11] =	ssyncset.done $0x0  }
0x49: {  	[sflag:s11] =	ssyncadd.s32 $0xFFFF6000;
	s4 =	sadd.s32 $0x0, s9  }
0x4a: {  	[tilespmem:s2], [sflag:$0x3] =	stream.linear.gather [hbm4b:s4+s2], $0x280, $0x38;
	[tilespmem:$0x14500] =	vst v63  }
0x4b: {  	_ =	swait.ge [sflag:s11], $0x280  }
0x4c: {  	[sflag:s11] =	ssyncset.done $0x0  }
0x4d: {  	[sflag:s11] =	ssyncadd.s32 $0xFFFFFD80  }
0x4e: {  	[tilespmem:s13], [sflag:$0x1] =	stream.indirect.gather [hbm4b:s3+s12], $0x40, s2, s12, $0xb8;
	[tilespmem:$0x14500] =	vst v63  }
0x4f: {  	_ = 	snop  }
0x50: {  	[tilespmem:s14], [sflag:$0x1] =	stream.indirect.gather [hbm4b:s3+s12], $0x40, s12, s12, $0xb8;
	[tilespmem:$0x14500] =	vst v63  }
0x51: {  	_ = 	snop  }
0x52: {  	[tilespmem:s16], [sflag:$0x1] =	stream.indirect.gather [hbm4b:s3+s12], $0x40, s15, s12, $0xb8;
	[tilespmem:$0x14500] =	vst v63  }
0x53: {  	_ = 	snop  }
0x54: {  	[tilespmem:s18], [sflag:$0x1] =	stream.indirect.gather [hbm4b:s3+s12], $0x40, s17, s12, $0xb8;
	[tilespmem:$0x14500] =	vst v63  }
0x55: {  	_ = 	snop  }
0x56: {  	[tilespmem:s20], [sflag:$0x1] =	stream.indirect.gather [hbm4b:s3+s12], $0x40, s19, s12, $0xb8;
	[tilespmem:$0x14500] =	vst v63  }
0x57: {  	_ =	swait.ge [sflag:s5], $0x2000  }
0x58: {  	[sflag:s5] =	ssyncset.done $0x0  }
0x59: {  	[sflag:s5] =	ssyncadd.s32 $0xFFFFE000  }
0x5a: {  	_ =	swait.ge [sflag:s5], $0x2000  }
0x5b: {  	[sflag:s5] =	ssyncset.done $0x0  }
0x5c: {  	[sflag:s5] =	ssyncadd.s32 $0xFFFFE000  }
0x5d: {  	_ =	swait.ge [sflag:s5], $0x2000  }
0x5e: {  	[sflag:s5] =	ssyncset.done $0x0  }
0x5f: {  	[sflag:s5] =	ssyncadd.s32 $0xFFFFE000  }
0x60: {  	_ =	swait.ge [sflag:s5], $0x2000  }
0x61: {  	[sflag:s5] =	ssyncset.done $0x0  }
0x62: {  	[sflag:s5] =	ssyncadd.s32 $0xFFFFE000  }
0x63: {  	_ =	swait.ge [sflag:s5], $0x2000  }
0x64: {  	[sflag:s5] =	ssyncset.done $0x0  }
0x65: {  	s7 =	rddreg [dreg:$0xa];
	[sflag:s5] =	ssyncadd.s32 $0xFFFFE000  }
0x66: {  	[hbm4b:s7+s1] =	stream.strided.scatter [tilespmem:s22], [sflag:$0x3], $0xA000, s12, s1, $0x38;
	[tilespmem:$0x14500] =	vst v63  }
0x67: {  	_ =	swait.ge [sflag:s11], $0xA000  }
0x68: {  	s10 =	rddreg [dreg:$0x3];
	[sflag:s11] =	ssyncset.done $0x0  }
0x69: {  	[sflag:s11] =	ssyncadd.s32 $0xFFFF6000;
	s4 =	sadd.s32 $0x0, s10  }
0x6a: {  	[tilespmem:s21], [sflag:$0x3] =	stream.linear.gather [hbm4b:s4+s2], $0x280, $0x38;
	[tilespmem:$0x14500] =	vst v63  }
0x6b: {  	_ =	swait.ge [sflag:s11], $0x280  }
0x6c: {  	[sflag:s11] =	ssyncset.done $0x0  }
0x6d: {  	[sflag:s11] =	ssyncadd.s32 $0xFFFFFD80  }
0x6e: {  	[tilespmem:s22], [sflag:$0x2] =	stream.indirect.gather [hbm4b:s3+s12], $0x40, s21, s12, $0xb8;
	[tilespmem:$0x14500] =	vst v63  }
0x6f: {  	_ = 	snop  }
0x70: {  	[tilespmem:s24], [sflag:$0x2] =	stream.indirect.gather [hbm4b:s3+s12], $0x40, s23, s12, $0xb8;
	[tilespmem:$0x14500] =	vst v63  }
0x71: {  	_ = 	snop  }
0x72: {  	[tilespmem:s26], [sflag:$0x2] =	stream.indirect.gather [hbm4b:s3+s12], $0x40, s25, s12, $0xb8;
	[tilespmem:$0x14500] =	vst v63  }
0x73: {  	s8 =	sadd.s32 $0x5000, s8;
	s7 =	sadd.s32 $0x5000, s7;
	s4 =	simm.s32 $0xA0  }
0x74: {  	[tilespmem:s29], [sflag:$0x2] =	stream.indirect.gather [hbm4b:s3+s12], $0x40, s28, s12, $0xb8;
	[tilespmem:$0x14500] =	vst v63  }
.LBB2_2:
0x75: {  	[tilespmem:s31], [sflag:$0x2] =	stream.indirect.gather [hbm4b:s3+s12], $0x40, s30, s12, $0xb8;
	[tilespmem:$0x14500] =	vst v63  }
0x76: {  	_ =	swait.ge [sflag:s0], $0x2000  }
0x77: {  	[sflag:s0] =	ssyncset.done $0x0  }
0x78: {  	[sflag:s0] =	ssyncadd.s32 $0xFFFFE000  }
0x79: {  	_ =	swait.ge [sflag:s0], $0x2000  }
0x7a: {  	[sflag:s0] =	ssyncset.done $0x0  }
0x7b: {  	[sflag:s0] =	ssyncadd.s32 $0xFFFFE000  }
0x7c: {  	_ =	swait.ge [sflag:s0], $0x2000  }
0x7d: {  	[sflag:s0] =	ssyncset.done $0x0  }
0x7e: {  	[sflag:s0] =	ssyncadd.s32 $0xFFFFE000  }
0x7f: {  	_ =	swait.ge [sflag:s0], $0x2000  }
0x80: {  	[sflag:s0] =	ssyncset.done $0x0  }
0x81: {  	[sflag:s0] =	ssyncadd.s32 $0xFFFFE000  }
0x82: {  	_ =	swait.ge [sflag:s0], $0x2000  }
0x83: {  	[sflag:s0] =	ssyncset.done $0x0  }
0x84: {  	[sflag:s0] =	ssyncadd.s32 $0xFFFFE000  }
0x85: {  	[hbm4b:s8+s1] =	stream.strided.scatter [tilespmem:s13], [sflag:$0x3], $0xA000, s12, s1, $0x38;
	[tilespmem:$0x14500] =	vst v63  }
0x86: {  	_ =	swait.ge [sflag:s11], $0xA000  }
0x87: {  	s9 =	smov.u32 s4;
	s10 =	rddreg [dreg:$0x4];
	[sflag:s11] =	ssyncset.done $0x0  }
0x88: {  	[sflag:s11] =	ssyncadd.s32 $0xFFFF6000;
	s10 =	sadd.s32 s9, s10  }
0x89: {  	[tilespmem:s2], [sflag:$0x3] =	stream.linear.gather [hbm4b:s10+s2], $0x280, $0x38;
	[tilespmem:$0x14500] =	vst v63  }
0x8a: {  	_ =	swait.ge [sflag:s11], $0x280  }
0x8b: {  	[sflag:s11] =	ssyncset.done $0x0  }
0x8c: {  	[sflag:s11] =	ssyncadd.s32 $0xFFFFFD80  }
0x8d: {  	[tilespmem:s13], [sflag:$0x1] =	stream.indirect.gather [hbm4b:s3+s12], $0x40, s2, s12, $0xb8;
	[tilespmem:$0x14500] =	vst v63  }
0x8e: {  	_ = 	snop  }
0x8f: {  	[tilespmem:s14], [sflag:$0x1] =	stream.indirect.gather [hbm4b:s3+s12], $0x40, s12, s12, $0xb8;
	[tilespmem:$0x14500] =	vst v63  }
0x90: {  	_ = 	snop  }
0x91: {  	[tilespmem:s16], [sflag:$0x1] =	stream.indirect.gather [hbm4b:s3+s12], $0x40, s15, s12, $0xb8;
	[tilespmem:$0x14500] =	vst v63  }
0x92: {  	_ = 	snop  }
0x93: {  	[tilespmem:s18], [sflag:$0x1] =	stream.indirect.gather [hbm4b:s3+s12], $0x40, s17, s12, $0xb8;
	[tilespmem:$0x14500] =	vst v63  }
0x94: {  	_ = 	snop  }
0x95: {  	[tilespmem:s20], [sflag:$0x1] =	stream.indirect.gather [hbm4b:s3+s12], $0x40, s19, s12, $0xb8;
	[tilespmem:$0x14500] =	vst v63  }
0x96: {  	_ =	swait.ge [sflag:s5], $0x2000  }
0x97: {  	[sflag:s5] =	ssyncset.done $0x0  }
0x98: {  	[sflag:s5] =	ssyncadd.s32 $0xFFFFE000  }
0x99: {  	_ =	swait.ge [sflag:s5], $0x2000  }
0x9a: {  	[sflag:s5] =	ssyncset.done $0x0  }
0x9b: {  	[sflag:s5] =	ssyncadd.s32 $0xFFFFE000  }
0x9c: {  	_ =	swait.ge [sflag:s5], $0x2000  }
0x9d: {  	[sflag:s5] =	ssyncset.done $0x0  }
0x9e: {  	[sflag:s5] =	ssyncadd.s32 $0xFFFFE000  }
0x9f: {  	_ =	swait.ge [sflag:s5], $0x2000  }
0xa0: {  	[sflag:s5] =	ssyncset.done $0x0  }
0xa1: {  	[sflag:s5] =	ssyncadd.s32 $0xFFFFE000  }
0xa2: {  	_ =	swait.ge [sflag:s5], $0x2000  }
0xa3: {  	[sflag:s5] =	ssyncset.done $0x0  }
0xa4: {  	[sflag:s5] =	ssyncadd.s32 $0xFFFFE000  }
0xa5: {  	[hbm4b:s7+s1] =	stream.strided.scatter [tilespmem:s22], [sflag:$0x3], $0xA000, s12, s1, $0x38;
	[tilespmem:$0x14500] =	vst v63  }
0xa6: {  	_ =	swait.ge [sflag:s11], $0xA000  }
0xa7: {  	s10 =	rddreg [dreg:$0x3];
	[sflag:s11] =	ssyncset.done $0x0  }
0xa8: {  	[sflag:s11] =	ssyncadd.s32 $0xFFFF6000;
	s9 =	sadd.s32 s9, s10  }
0xa9: {  	[tilespmem:s21], [sflag:$0x3] =	stream.linear.gather [hbm4b:s9+s2], $0x280, $0x38;
	[tilespmem:$0x14500] =	vst v63  }
0xaa: {  	_ =	swait.ge [sflag:s11], $0x280  }
0xab: {  	[sflag:s11] =	ssyncset.done $0x0  }
0xac: {  	[sflag:s11] =	ssyncadd.s32 $0xFFFFFD80  }
0xad: {  	[tilespmem:s22], [sflag:$0x2] =	stream.indirect.gather [hbm4b:s3+s12], $0x40, s21, s12, $0xb8;
	[tilespmem:$0x14500] =	vst v63  }
0xae: {  	p0 =	sne.s32 s4, $0xB40  }
0xaf: {  	[tilespmem:s24], [sflag:$0x2] =	stream.indirect.gather [hbm4b:s3+s12], $0x40, s23, s12, $0xb8;
	[tilespmem:$0x14500] =	vst v63  }
.Ltmp0:
0xb0: {  	_ = 	snop;
	(pc) =	sbr.rel @p0 .LBB2_2-.Ltmp0, $4  }
0xb1: {  	_ = 	snop  }
0xb2: {  	[tilespmem:s26], [sflag:$0x2] =	stream.indirect.gather [hbm4b:s3+s12], $0x40, s25, s12, $0xb8;
	[tilespmem:$0x14500] =	vst v63  }
0xb3: {  	s4 =	sadd.s32 $0xA0, s4;
	s8 =	sadd.s32 $0x5000, s8;
	s7 =	sadd.s32 $0x5000, s7  }
0xb4: {  	[tilespmem:s29], [sflag:$0x2] =	stream.indirect.gather [hbm4b:s3+s12], $0x40, s28, s12, $0xb8;
	[tilespmem:$0x14500] =	vst v63  }
0xb5: {  	[tilespmem:s31], [sflag:$0x2] =	stream.indirect.gather [hbm4b:s3+s12], $0x40, s30, s12, $0xb8;
	[tilespmem:$0x14500] =	vst v63  }
0xb6: {  	_ =	swait.ge [sflag:s0], $0x2000  }
0xb7: {  	[sflag:s0] =	ssyncset.done $0x0  }
0xb8: {  	[sflag:s0] =	ssyncadd.s32 $0xFFFFE000  }
0xb9: {  	_ =	swait.ge [sflag:s0], $0x2000  }
0xba: {  	[sflag:s0] =	ssyncset.done $0x0  }
0xbb: {  	[sflag:s0] =	ssyncadd.s32 $0xFFFFE000  }
0xbc: {  	_ =	swait.ge [sflag:s0], $0x2000  }
0xbd: {  	[sflag:s0] =	ssyncset.done $0x0  }
0xbe: {  	[sflag:s0] =	ssyncadd.s32 $0xFFFFE000  }
0xbf: {  	_ =	swait.ge [sflag:s0], $0x2000  }
0xc0: {  	[sflag:s0] =	ssyncset.done $0x0  }
0xc1: {  	[sflag:s0] =	ssyncadd.s32 $0xFFFFE000  }
0xc2: {  	_ =	swait.ge [sflag:s0], $0x2000  }
0xc3: {  	[sflag:s0] =	ssyncset.done $0x0  }
0xc4: {  	s4 =	rddreg [dreg:$0x7];
	[sflag:s0] =	ssyncadd.s32 $0xFFFFE000  }
0xc5: {  	[hbm4b:s4+s1] =	stream.strided.scatter [tilespmem:s13], [sflag:$0x3], $0xA000, s12, s1, $0x38;
	[tilespmem:$0x14500] =	vst v63  }
0xc6: {  	_ =	swait.ge [sflag:s11], $0xA000  }
0xc7: {  	[sflag:s11] =	ssyncset.done $0x0  }
0xc8: {  	[sflag:s11] =	ssyncadd.s32 $0xFFFF6000  }
0xc9: {  	_ =	swait.ge [sflag:s5], $0x2000  }
0xca: {  	[sflag:s5] =	ssyncset.done $0x0  }
0xcb: {  	[sflag:s5] =	ssyncadd.s32 $0xFFFFE000  }
0xcc: {  	_ =	swait.ge [sflag:s5], $0x2000  }
0xcd: {  	[sflag:s5] =	ssyncset.done $0x0  }
0xce: {  	[sflag:s5] =	ssyncadd.s32 $0xFFFFE000  }
0xcf: {  	_ =	swait.ge [sflag:s5], $0x2000  }
0xd0: {  	[sflag:s5] =	ssyncset.done $0x0  }
0xd1: {  	[sflag:s5] =	ssyncadd.s32 $0xFFFFE000  }
0xd2: {  	_ =	swait.ge [sflag:s5], $0x2000  }
0xd3: {  	[sflag:s5] =	ssyncset.done $0x0  }
0xd4: {  	[sflag:s5] =	ssyncadd.s32 $0xFFFFE000  }
0xd5: {  	_ =	swait.ge [sflag:s5], $0x2000  }
0xd6: {  	[sflag:s5] =	ssyncset.done $0x0  }
0xd7: {  	s9 =	rddreg [dreg:$0x8];
	[sflag:s5] =	ssyncadd.s32 $0xFFFFE000  }
0xd8: {  	[hbm4b:s9+s1] =	stream.strided.scatter [tilespmem:s22], [sflag:$0x3], $0xA000, s12, s1, $0x38;
	[tilespmem:$0x14500] =	vst v63  }
0xd9: {  	_ =	swait.ge [sflag:s11], $0xA000  }
0xda: {  	s6 =	sadd.s32 $0x1, s6;
	s10 =	rddreg [dreg:$0x9]  }
0xdb: {  	p0 =	sne.s32 s6, s10  }
.Ltmp1:
0xdc: {  	_ = 	snop;
	(pc) =	sbr.rel @p0 .LBB2_1-.Ltmp1, $3  }
0xdd: {  	_ =	sdelay $0x1  }
0xde: {  	[sflag:s11] =	ssyncset.done $0x0  }
0xdf: {  	[sflag:s11] =	ssyncadd.s32 $0xFFFF6000  }
0xe0: {  	_ =	sfence.sel $0x180000  }
0xe1: {  	[bflag:$0x0] =	sbarrier.arrive $0xFFFF  }
0xe2: {  	_ =	strace $0x90000047  }
0xe3: {  	s0 =	stileid.u32;
	[bflag:$0x2] =	sbarrier.arrive $0xFFFF  }
0xe4: {  	p0 =	sne.s32 s0, $0x0;
	s0 =	rddreg [dreg:$0x2]  }
0xe5: {  	s0 =	sadd.s32 @!p0 $0x100000, s0  }
0xe6: {  	[sflag:s0] =	ssyncadd.tile.s32 @!p0 $0x1;
	_ =	shalt  }
.Lfunc_end2:
_tile_overlayer_lowered:
.L_overlay_start_2:
0xe7: {  	(tag) =	ssettag $0x2  }
0xe8: {  	s0 =	rddreg [dreg:$0x0];
	s2 =	stileid.u32  }
0xe9: {  	s1 =	rddreg [dreg:$0x1];
	p0 =	sne.s32 s2, $0x0  }
0xea: {  	s3 =	rddreg [dreg:$0x2];
	[bflag:$0x3] =	sbarrier.arrive $0xFFFF;
	s2 =	simm.s32 @!p0 $0x1C03  }
0xeb: {  	[timem:s3], [sflag:s2] =	dma.local @!p0 [hbm:s0], s1  }
0xec: {  	s0 =	simm.s32 @!p0 $0x3  }
0xed: {  	_ =	swait.ge @!p0 [sflag:s0], s1  }
0xee: {  	s1 =	ssub.s32 @!p0 $0x0, s1;
	[sflag:s0] =	ssyncset.done @!p0 $0x0  }
0xef: {  	[sflag:s0] =	ssyncadd.s32 @!p0 s1  }
0xf0: {  	[bflag:$0x3] =	sbarrier.arrive $0xFFFF  }
0xf1: {  	_ =	shalt  }

// kernel: sparse-core-data-format-call.cloned.1.call-start
scs
called_computation_lowered:
.L_overlay_start_0:
0x0: {  	s2 =	sld [smem:$0x3FD9]  }
0x1: {  	s3 =	sld [smem:$0x3FFE];
	_ =	sdelay $0x1  }
0x2: {  	s1 =	srdreg.scid  }
0x3: {  	s0 =	sand.u32 $0x1, s1  }
0x4: {  	s18 =	sshll.u32 s0, $0xA;
	s2 =	sadd.s32 s3, s2  }
0x5: {  	s2 =	sadd.s32 s2, s18  }
0x6: {  	[smem:$0x3FC6] =	sst s2  }
0x7: {  	_ = 	snop  }
0x8: {  	s2 =	sld [smem:$0x3FD0];
	(tm) =	ssettm $0x1  }
0x9: {  	s19 =	sld [smem:$0x3FFB];
	_ =	sdelay $0x3  }
0xa: {  	_ =	strace s19  }
0xb: {  	s3 =	sld [smem:$0x3FFC];
	_ =	sdelay $0x3  }
0xc: {  	_ =	strace s3  }
0xd: {  	s3 =	sld [smem:$0x3FFD];
	_ =	sdelay $0x3  }
0xe: {  	_ =	strace s3  }
0xf: {  	_ =	strace $0x8FFFFFFF  }
0x10: {  	s20 =	sld [smem:$0x3FDB];
	_ =	sdelay $0x1  }
0x11: {  	s4 =	simm.s32 $_scs_section_size  }
0x12: {  	s5 =	simm.s32 $_size__tile_overlayer_lowered;
	s6 =	simm.s32 $_tile_overlayer_lowered  }
0x13: {  	s23 =	simm.s32 $0x1BFF;
	s22 =	sshll.u32 s6, $0x1;
	s3 =	sadd.s32 s4, s20  }
0x14: {  	s7 =	simm.s32 $0x0;
	s21 =	sshll.u32 s5, $0x1;
	s5 =	sadd.s32 s22, s3  }
0x15: {  	[timem:s7], [sflag:s23] =	dma.local [hbm:s5], s21  }
0x16: {  	_ =	swait.ge [sflag:s23], s21  }
0x17: {  	s4 =	ssub.s32 $0x0, s21;
	[sflag:s23] =	ssyncset.done $0x0  }
0x18: {  	[sflag:s23] =	ssyncadd.s32 s4;
	_ =	sdelay $0x1  }
0x19: {  	s24 =	simm.s32 $0x1B8B  }
0x1a: {  	_ =	swait.ge [sflag:s24], $0x1  }
0x1b: {  	[sflag:s24] =	ssyncset.done $0x0  }
0x1c: {  	s26 =	simm.s32 $0x1B8E;
	s25 =	sld [smem:$0x3FFE];
	[sflag:s24] =	ssyncadd.s32 $0xFFFFFFFF  }
0x1d: {  	s27 =	simm.s32 $execute0_lowered;
	[smem:$0x3FD2] =	sst s26  }
0x1e: {  	s5 =	sshll.u32 s27, $0x1;
	_ =	strace $0x80000049;
	[dreg:$0x1] =	wrdreg $0xFFFFFFFF  }
0x1f: {  	s28 =	simm.s32 $_size_execute0_lowered;
	s3 =	sadd.s32 s3, s5;
	[dreg:$0x0] =	wrdreg $0x0  }
0x20: {  	s5 =	sshll.u32 s28, $0x1;
	[dreg:$0x2] =	wrdreg s3  }
0x21: {  	[dreg:$0x3] =	wrdreg s5  }
0x22: {  	[dreg:$0x4] =	wrdreg $0xC0  }
0x23: {  	_ =	task [dreg:s7], $0x5FFFF  }
0x24: {  	[dreg:$0x1] =	wrdreg $0xFFFFFFFF  }
0x25: {  	[dreg:$0x0] =	wrdreg $0x60  }
0x26: {  	[dreg:$0x2] =	wrdreg s25  }
0x27: {  	[dreg:$0x3] =	wrdreg s2  }
0x28: {  	[dreg:$0x4] =	wrdreg $0x9  }
0x29: {  	_ =	task.clear_ibuf [dreg:s7], $0x5FFFF;
	_ =	strace $0x90000049  }
0x2a: {  	s29 =	simm.s32 $0x9;
	_ =	strace $0x8000004B  }
0x2b: {  	_ =	swait.ge [sflag:s29], $0x1  }
0x2c: {  	[sflag:s29] =	ssyncadd.s32 $0xFFFFFFFF  }
0x2d: {  	_ =	strace $0x9000004B  }
0x2e: {  	_ =	sfence  }
0x2f: {  	s30 =	sld [smem:$0x0];
	_ =	sdelay $0x2  }
0x30: {  	s31 =	sshll.u32 s1, $0xD;
	s1 =	sshrl.u32 s1, $0x2  }
0x31: {  	s3 =	sand.u32 $0x4000, s31;
	s1 =	sadd.s32 s1, s30  }
0x32: {  	s0 =	sor.u32 s3, s0;
	s1 =	sshll.u32 s1, $0x11  }
0x33: {  	s0 =	sor.u32 s1, s0  }
0x34: {  	s0 =	sadd.s32 $0x8F2B, s0  }
0x35: {  	[sflag:s0] =	ssyncadd.remote.s32 $0x1  }
0x36: {  	_ =	sfence.sel $0xFFFF  }
0x37: {  	[dreg:$0x0] =	wrdreg $0xFFFFFFFF;
	(pc) =	sbr.abs _section_cstart, $3  }
0x38: {  	[dreg:$0x1] =	wrdreg $0xFFFFFFFF  }
0x39: {  	_ =	task.clear_ibuf [dreg:s7], $0x2FFFF;
	_ =	strace $0x9FFFFFFF  }
0x3a: {  	(tm) =	ssettm $0x7FFFFFFF  }
0x3b: {  	_ =	shalt  }
tec
execute0_lowered:
.L_overlay_start_1:
0x0: {  	(tag) =	ssettag $0x1  }
0x1: {  	s0 =	srdreg.scid  }
0x2: {  	s1 =	sshll.u32 s0, $0x4  }
0x3: {  	s0 =	stileid.u32;
	s1 =	sand.u32 $0x10, s1  }
0x4: {  	s1 =	sor.u32 s0, s1  }
0x5: {  	s6 =	rddreg [dreg:$0x0];
	s4 =	simm.s32 $0x1;
	s2 =	sshll.u32 s1, $0x7  }
0x6: {  	s7 =	simm.s32 $0x2;
	s12 =	simm.s32 $0x0;
	s1 =	ssub.s32 $0x1000, s2  }
0x7: {  	s8 =	simm.s32 $0x8000;
	s13 =	simm.s32 $0x0;
	s3 =	sand.u32 $0xF80, s1  }
0x8: {  	s9 =	simm.s32 $0x0;
	s5 =	sshrl.u32 s1, $0xC;
	p0 =	sne.s32 s3, $0x0  }
.Ltmp0:
0x9: {  	s1 =	rddreg [dreg:$0x2];
	s4 =	simm.s32 @!p0 $0x0;
	(pc) =	sbr.rel .LBB1_1-.Ltmp0, $4  }
0xa: {  	s11 =	simm.s32 $0x0;
	s3 =	rddreg [dreg:$0x1];
	s5 =	sadd.s32 s4, s5  }
0xb: {  	_ =	strace $0x8000004A;
	s4 =	simm.s32 $0x1;
	s5 =	smul.u32 $0xC8, s5  }
0xc: {  	s6 =	sadd.s32 $0xA00, s6;
	s10 =	smov.u32 s2;
	[sflag:s4] =	ssyncpa.u1 $0x0  }
0xd: {  	p0 =	por $0x0, $0x0;
	[sflag:s7] =	ssyncpa.u1 $0x0;
	s7 =	sor.u32 $0x1, s5  }
.LBB1_4:
0xe: {  	s16 =	sshll.u32 s13, $0x3;
	s17 =	sand.u32 $0x78, s13  }
0xf: {  	s30 =	sand.u32 $0x7E00, s13;
	s12 =	sshll.u32 s12, $0xF;
	s16 =	sand.u32 $0xC00, s16  }
0x10: {  	[tilespmem:s15+$0x810 ss:$0x81] =	vst.msk $0xffff, v2;
	s31 =	sand.u32 $0x7, s13;
	s16 =	sor.u32 s17, s16;
	s17 =	sadd.s32 s3, s30  }
0x11: {  	[tilespmem:s15+$0x1020 ss:$0x81] =	vst.msk $0xffff, v0;
	s13 =	sshll.u32 s31, $0x12;
	s12 =	sadd.s32 s12, s17;
	s16 =	sshrl.u32 s16, $0x3  }
0x12: {  	[tilespmem:s15+$0x0 ss:$0x81] =	vst.msk $0xffff, v1;
	s13 =	sor.u32 $0x400, s13;
	s12 =	sadd.s32 s16, s12  }
0x13: {  	[hbm4b:s12+s13] =	stream.strided.scatter [tilespmem:s14], [sflag:$0x2], $0x2000, s8, s13, $0x20;
	[tilespmem:$0x8080] =	vst v63  }
.LBB1_5:
0x14: {  	s14 =	sadd.s32 $0x1, s9  }
0x15: {  	s12 =	sadd.s32 $0x1000, s10;
	s16 =	smov.u32 s10;
	p2 =	sgt.s32 s14, $0xC7  }
0x16: {  	s16 =	smov.u32 @p2 s12  }
0x17: {  	s14 =	simm.s32 @p2 $0x0;
	p2 =	sgt.s32 s16, $0xFFF  }
0x18: {  	s16 =	smov.u32 @p2 s2;
	p2 =	sne.s32 s11, s7  }
.Ltmp1:
0x19: {  	p1 =	slt.u32 s11, $0x2;
	(pc) =	sbr.rel @!p2 .LBB1_6-.Ltmp1, $4  }
0x1a: {  	s15 =	simm.s32 @!p1 $0x2  }
0x1b: {  	s13 =	smov.u32 s10;
	p0 =	por !p0, !p0;
	_ =	swait.ge @!p1 [sflag:s15], $0x2000  }
0x1c: {  	s12 =	smov.u32 s9;
	[sflag:s15] =	ssyncset.done @!p1 $0x0;
	s9 =	smov.u32 s14  }
0x1d: {  	s11 =	sadd.s32 $0x1, s11;
	[sflag:s15] =	ssyncadd.s32 @!p1 $0xFFFFE000;
	s10 =	smov.u32 s16  }
.LBB1_1:
0x1e: {  	p1 =	sge.u32 s11, s5  }
0x1f: {  	s14 =	sand.u32 @!p1 $0x1FFFFFF, s9  }
0x20: {  	s15 =	smulhi.u32 @!p1 $0x147AE15, s14;
	_ =	sdelay $0x1  }
0x21: {  	s15 =	smul.u32 @!p1 $0xC8, s15  }
0x22: {  	s16 =	sxor.u32 @!p1 $0xFFFFFFFF, s11;
	s17 =	smul.u32 @!p1 $0xC80, s10  }
0x23: {  	s31 =	sadd.s32 $0xFFFFFFFF, s11;
	s16 =	sshll.u32 @!p1 s16, $0xD;
	s14 =	ssub.s32 @!p1 s14, s15  }
0x24: {  	s15 =	sand.u32 @!p1 $0x2000, s16;
	s16 =	sadd.s32 @!p1 s6, s17;
	s14 =	sshll.u32 @!p1 s14, $0x4  }
0x25: {  	s17 =	simm.s32 @!p1 $0x6400;
	s14 =	sadd.s32 @!p1 s14, s16;
	s16 =	simm.s32 @!p1 $0x40  }
0x26: {  	[tilespmem:s15], [sflag:$0x1] =	stream.strided.gather @!p1 [hbm4b:s14+s16], $0x2000, s17, s16, $0x38;
	[tilespmem:$0x8080] =	vst v63  }
0x27: {  	p1 =	sge.u32 s31, s5  }
.Ltmp2:
0x28: {  	_ = 	snop;
	(pc) =	sbr.rel @p1 .LBB1_5-.Ltmp2, $1  }
0x29: {  	_ =	sdelay $0x3  }
0x2a: {  	s14 =	simm.s32 $0x1  }
0x2b: {  	_ =	swait.ge [sflag:s4], $0x2000;
	s14 =	simm.s32 @!p0 $0x0  }
0x2c: {  	[sflag:s4] =	ssyncset.done $0x0;
	s15 =	sshll.u32 s14, $0xD  }
0x2d: {  	[sflag:s4] =	ssyncadd.s32 $0xFFFFE000;
	s18 =	sor.u32 $0x20, s15  }
0x2e: {  	s14 =	smul.u32 $0x8100, s14;
	v3 =	vld [tilespmem:s18+$0x10]  }
0x2f: {  	s30 =	sand.u32 $0x1, s11;
	v2 =	vld [tilespmem:s18+$0xFFFFFFF0]  }
0x30: {  	s15 =	smul.u32 $0x8100, s30;
	s14 =	sshrl.u32 s14, $0x2;
	v0 =	vld [tilespmem:s18+$0x0]  }
0x31: {  	v1 =	vld [tilespmem:s18+$0xFFFFFFE0];
	s16 =	sor.u32 $0x4000, s14  }
0x32: {  	s31 =	sshrl.u32 s15, $0x2;
	s15 =	sadd.s32 $0x0, s16  }
0x33: {  	s17 =	simm.s32 $0x4;
	s18 =	sadd.s32 $0x40, s18;
	s14 =	sor.u32 $0x4000, s31;
	[tilespmem:s15+$0x1830 ss:$0x81] =	vst.msk $0xffff, v3  }
.LBB1_3:
0x34: {  	v3 =	vld [tilespmem:s18+$0x10];
	p1 =	sne.s32 s17, $0x1FC;
	[tilespmem:s15+$0x810 ss:$0x81] =	vst.msk $0xffff, v2;
	s19 =	smov.u32 s17;
	s17 =	sadd.s32 $0x4, s17  }
.Ltmp3:
0x35: {  	v2 =	vld [tilespmem:s18+$0xFFFFFFF0];
	[tilespmem:s15+$0x1020 ss:$0x81] =	vst.msk $0xffff, v0;
	(pc) =	sbr.rel @p1 .LBB1_3-.Ltmp3, $4  }
0x36: {  	v0 =	vld [tilespmem:s18+$0x0];
	[tilespmem:s15+$0x0 ss:$0x81] =	vst.msk $0xffff, v1  }
0x37: {  	s15 =	sshra.s32 s19, $0x2;
	v1 =	vld [tilespmem:s18+$0xFFFFFFE0]  }
0x38: {  	s15 =	sadd.s32 s15, s16  }
0x39: {  	s18 =	sadd.s32 $0x40, s18;
	[tilespmem:s15+$0x1830 ss:$0x81] =	vst.msk $0xffff, v3  }
.Ltmp4:
0x3a: {  	_ = 	snop;
	(pc) =	sbr.rel .LBB1_4-.Ltmp4, $1  }
0x3b: {  	_ =	sdelay $0x3  }
.LBB1_6:
0x3c: {  	_ =	sfence.sel $0x180000  }
0x3d: {  	s2 =	simm.s32 $0x1;
	[bflag:$0x0] =	sbarrier.arrive $0xFFFF  }
0x3e: {  	s31 =	simm.s32 $0x2;
	[sflag:s2] =	ssyncpa.u1 $0x1  }
0x3f: {  	[sflag:s31] =	ssyncpa.u1 $0x1  }
0x40: {  	p0 =	sne.s32 s0, $0x0;
	_ =	strace $0x9000004A  }
0x41: {  	s0 =	sadd.s32 @!p0 $0x100000, s1;
	[bflag:$0x2] =	sbarrier.arrive $0xFFFF  }
0x42: {  	[sflag:s0] =	ssyncadd.tile.s32 @!p0 $0x1;
	_ =	shalt  }
.Lfunc_end1:
_tile_overlayer_lowered:
.L_overlay_start_2:
0x43: {  	(tag) =	ssettag $0x2  }
0x44: {  	s0 =	rddreg [dreg:$0x0];
	s2 =	stileid.u32  }
0x45: {  	s1 =	rddreg [dreg:$0x1];
	p0 =	sne.s32 s2, $0x0  }
0x46: {  	s3 =	rddreg [dreg:$0x2];
	[bflag:$0x3] =	sbarrier.arrive $0xFFFF;
	s2 =	simm.s32 @!p0 $0x1C01  }
0x47: {  	[timem:s3], [sflag:s2] =	dma.local @!p0 [hbm:s0], s1  }
0x48: {  	s0 =	simm.s32 @!p0 $0x1  }
0x49: {  	_ =	swait.ge @!p0 [sflag:s0], s1  }
0x4a: {  	s1 =	ssub.s32 @!p0 $0x0, s1;
	[sflag:s0] =	ssyncset.done @!p0 $0x0  }
0x4b: {  	[sflag:s0] =	ssyncadd.s32 @!p0 s1  }
0x4c: {  	[bflag:$0x3] =	sbarrier.arrive $0xFFFF  }
0x4d: {  	_ =	shalt  }

</sc_bundles>
